<compile_context>
chip_gen: v7x
topology: tpu7x:2x2x1
jax: 0.10.2.dev20260603
libtpu: 0.0.44.dev20260713+nightly
codegen_flags: <defaults>
</compile_context>

<pallas_src>
import functools

import jax
import jax.numpy as jnp
from jax import lax
from jax.experimental import pallas as pl
from jax.experimental.pallas import tpu as pltpu
from jax.experimental.pallas import tpu_sc as plsc

N = 10000
E = 320000
D = 128
NOISE = 64
HID = 256
NARG = 4
B = 500
NPG = 20

NC = 2
NS = 16
NW = NC * NS
K = 128
CPT = 80
BC = 40
NB = CPT // BC
NCH = NW * CPT
EP = NCH * K
B2 = 512
NPAD = NPG * B2
RPT = NPAD // NS
MLP_IN = D + NOISE + 6

@functools.lru_cache(maxsize=1)
def _make_sc_agg():
  mesh = plsc.VectorSubcoreMesh(
      core_axis_name="c", subcore_axis_name="s", num_cores=NC, num_subcores=NS)

  @functools.partial(
      pl.kernel,
      mesh=mesh,
      out_type=jax.ShapeDtypeStruct((NC, NPAD, D), jnp.float32),
      scratch_types=[
          pltpu.VMEM((2, BC, K), jnp.int32),
          pltpu.VMEM((K,), jnp.int32),
          pltpu.VMEM((K,), jnp.int32),
          pltpu.VMEM((K, D), jnp.float32),
          pltpu.VMEM((K, D), jnp.float32),
          pltpu.VMEM_SHARED((NPAD, D), jnp.float32),
          pltpu.SemaphoreType.DMA,
          pltpu.SemaphoreType.DMA,
      ],
  )
  def _sc_agg(xsel_hbm, ei_hbm, zeros_hbm, out_hbm,
              idx_v, dstr0, dstr1, rows0, rows1, agg_sh, sem0, sem1):
    c = lax.axis_index("c")
    s = lax.axis_index("s")
    wid = s * NC + c

    pltpu.sync_copy(zeros_hbm, agg_sh.at[pl.ds(s * RPT, RPT)])
    plsc.subcore_barrier()

    base = wid * CPT

    def fire(j, rows, sem):
        pltpu.async_copy(xsel_hbm.at[idx_v.at[0, j]], rows, sem)

    def drain(rows, sem):
        pltpu.make_async_copy(xsel_hbm.at[pl.ds(0, K)], rows, sem).wait()

    def scat(j, rows, dstr):
        for l in range(K // 16):
            d = idx_v[1, j, pl.ds(l * 16, 16)]
            q = lax.shift_right_logical(d * 3277, 16)
            r = d - q * NPG
            dstr[pl.ds(l * 16, 16)] = lax.shift_left(r, 9) + q
        pltpu.sync_copy(rows, agg_sh.at[dstr], add=True)

    def batch(b, carry):
        pltpu.sync_copy(ei_hbm.at[:, pl.ds(base + b * BC, BC), :], idx_v)
        fire(0, rows0, sem0)

        def body(i, carry2):
            j = i * 2
            fire(j + 1, rows1, sem1)
            drain(rows0, sem0)
            scat(j, rows0, dstr0)

            @pl.when(j + 2 < BC)
            def _():
                fire(j + 2, rows0, sem0)

            drain(rows1, sem1)
            scat(j + 1, rows1, dstr1)
            return carry2

        lax.fori_loop(0, BC // 2, body, 0)
        return carry

    lax.fori_loop(0, NB, batch, 0)

    plsc.subcore_barrier()
    pltpu.sync_copy(agg_sh.at[pl.ds(s * RPT, RPT)],
                    out_hbm.at[c, pl.ds(s * RPT, RPT)])

  return _sc_agg


def _tc_body(xp_ref, noise_ref, aggp_ref, Wsn_ref, bg_ref,
             W1_ref, b1_ref, W2_ref, b2_ref, out_ref):
    f32 = jnp.float32
    xb = xp_ref[0]
    agg = aggp_ref[0, 0, :B] + aggp_ref[1, 0, :B]
    xa = jnp.concatenate([xb, agg], axis=1)
    ox = jnp.dot(xa, Wsn_ref[...], preferred_element_type=f32)
    ox = jnp.maximum(ox + bg_ref[...], 0.0)
    hin = jnp.concatenate([ox, noise_ref[...], xb[:, 13:19]], axis=1)
    h = jnp.dot(hin, W1_ref[0], preferred_element_type=f32)
    h = jnp.maximum(h + b1_ref[0], 0.0)
    out_ref[...] = jnp.dot(h, W2_ref[0], preferred_element_type=f32) + b2_ref[0]


_tc_mlp = pl.pallas_call(
    _tc_body,
    grid=(NPG,),
    in_specs=[
        pl.BlockSpec((1, B, D), lambda p: (p, 0, 0)),
        pl.BlockSpec((B, NOISE), lambda p: (0, 0)),
        pl.BlockSpec((NC, 1, B2, D), lambda p: (0, p, 0, 0)),
        pl.BlockSpec((2 * D, D), lambda p: (0, 0)),
        pl.BlockSpec((1, D), lambda p: (0, 0)),
        pl.BlockSpec((1, MLP_IN, HID), lambda p: (jnp.minimum(p, NARG), 0, 0)),
        pl.BlockSpec((1, 1, HID), lambda p: (jnp.minimum(p, NARG), 0, 0)),
        pl.BlockSpec((1, HID, D), lambda p: (jnp.minimum(p, NARG), 0, 0)),
        pl.BlockSpec((1, 1, D), lambda p: (jnp.minimum(p, NARG), 0, 0)),
    ],
    out_specs=pl.BlockSpec((B, D), lambda p: (0, p)),
    out_shape=jax.ShapeDtypeStruct((B, NPG * D), jnp.float32),
)


def kernel(x, edge_index, ptr, noise, Ws, Wn, bg, aW1, ab1, aW2, ab2,
           sW1, sb1, sW2, sb2):
    del ptr
    xsel = x[:, :D]

    pad_iota = jnp.arange(EP - E, dtype=jnp.int32)
    pad = jnp.stack([pad_iota % N, N + pad_iota % (NPAD - N)])
    eip = jnp.concatenate([edge_index, pad], axis=1).reshape(2, NCH, K)
    zeros = jnp.zeros((RPT, D), jnp.float32)

    aggp = _make_sc_agg()(xsel, eip, zeros)
    aggp = aggp.reshape(NC, NPG, B2, D)
    xp = xsel.reshape(B, NPG, D).transpose(1, 0, 2)

    NU = NARG + 1
    W1 = jnp.concatenate([aW1, sW1[None]])
    W1r = jnp.concatenate([W1[:, :D, :], W1[:, D + 6:, :], W1[:, D:D + 6, :]],
                          axis=1)
    b1 = jnp.concatenate([ab1, sb1[None]])
    W2 = jnp.concatenate([aW2, sW2[None]])
    b2 = jnp.concatenate([ab2, sb2[None]])
    Wsn = jnp.concatenate([Ws, Wn], axis=0)

    outp = _tc_mlp(xp, noise, aggp, Wsn, bg.reshape(1, D),
                   W1r, b1.reshape(NU, 1, HID), W2, b2.reshape(NU, 1, D))
    return outp.reshape(N, D)

# --- scband reference (transcript-rebuilt; emitter-appended) ---
"""Pipeline reference for scband-gangenerator-hybrid-v1-68427418960098 (READ-ONLY COPY).

The authoritative reference and input builder live on the scoring server;
editing this copy changes nothing except your own understanding.
"""

import jax, jax.numpy as jnp
import numpy as np

N = 10000
E = 320000
D_RAW = 144
D = 128
NOISE = 64
HID = 256
NARG = 4
B = 500
NPG = 20
MLP_IN = D + 6 + NOISE


def setup_inputs(seed: int = 0) -> dict:
    key = jax.random.key(seed)
    ks = jax.random.split(key, 16)
    x = jax.random.normal(ks[0], (N, D_RAW), dtype=jnp.float32)
    edge_index = jax.random.randint(ks[1], (2, E), 0, N, dtype=jnp.int32)
    ptr = (jnp.arange(B + 1, dtype=jnp.int32) * NPG)
    noise = jax.random.normal(ks[2], (B, NOISE), dtype=jnp.float32)
    # GNN params (single message-passing layer)
    Ws = jax.random.normal(ks[3], (D, D), dtype=jnp.float32) * 0.02
    Wn = jax.random.normal(ks[4], (D, D), dtype=jnp.float32) * 0.02
    bg = jnp.zeros((D,), dtype=jnp.float32)
    # per-argument-object GeneratorMLP params (stacked over NARG units)
    aW1 = jax.random.normal(ks[5], (NARG, MLP_IN, HID), dtype=jnp.float32) * 0.02
    ab1 = jnp.zeros((NARG, HID), dtype=jnp.float32)
    aW2 = jax.random.normal(ks[6], (NARG, HID, D), dtype=jnp.float32) * 0.02
    ab2 = jnp.zeros((NARG, D), dtype=jnp.float32)
    # surrounding GeneratorMLP params
    sW1 = jax.random.normal(ks[7], (MLP_IN, HID), dtype=jnp.float32) * 0.02
    sb1 = jnp.zeros((HID,), dtype=jnp.float32)
    sW2 = jax.random.normal(ks[8], (HID, D), dtype=jnp.float32) * 0.02
    sb2 = jnp.zeros((D,), dtype=jnp.float32)
    return {"x": x, "edge_index": edge_index, "ptr": ptr, "noise": noise,
            "Ws": Ws, "Wn": Wn, "bg": bg,
            "aW1": aW1, "ab1": ab1, "aW2": aW2, "ab2": ab2,
            "sW1": sW1, "sb1": sb1, "sW2": sW2, "sb2": sb2}


def _generator_mlp(feats, oabb, ns, W1, b1, W2, b2):
    h = jnp.concatenate([feats, oabb, ns], axis=-1)
    h = jax.nn.relu(h @ W1 + b1)
    return h @ W2 + b2


def reference(x, edge_index, ptr, noise, Ws, Wn, bg, aW1, ab1, aW2, ab2, sW1, sb1, sW2, sb2):
    # feature selection: batch.x = batch.x[:, in_feature_selector]
    x_sel = x[:, :D]
    # message passing GNN: gather neighbor feats, scatter-add by dst, linear + relu
    src = edge_index[0]
    dst = edge_index[1]
    agg = jax.ops.segment_sum(x_sel[src], dst, num_segments=N)
    out_x = jax.nn.relu(x_sel @ Ws + agg @ Wn + bg)
    # new_features = clone(batch.x)
    new_features = x_sel
    # argument units: scatter-overwrite rows at arg_indices = i + ptr[:-1]
    for i in range(NARG):
        idx = ptr[:-1] + i
        feats = out_x[idx]
        oabb = x_sel[idx, 13:19]
        gen = _generator_mlp(feats, oabb, noise, aW1[i], ab1[i], aW2[i], ab2[i])
        new_features = new_features.at[idx].set(gen)
    # surrounding unit (-1): all nodes past the first NARG in each graph
    surr = (jnp.arange(B, dtype=jnp.int32)[:, None] * NPG
            + jnp.arange(NARG, NPG, dtype=jnp.int32)[None, :]).reshape(-1)
    feats = out_x[surr]
    oabb = x_sel[surr, 13:19]
    ns = noise[surr // NPG]
    gen = _generator_mlp(feats, oabb, ns, sW1, sb1, sW2, sb2)
    new_features = new_features.at[surr].set(gen)
    return new_features

if __name__ == "__main__":
    import jax
    _d = setup_inputs()
    print(jax.jit(kernel)(*tuple(_d.values())))

</pallas_src>

<mosaic_0001>
#map = affine_map<(d0, d1) -> (0, 0)>
#map1 = affine_map<(d0, d1) -> (0, 0, 0)>
module attributes {stable_mosaic.version = 14 : i64} {
  func.func @_sc_agg(%arg0: i32, %arg1: i32, %arg2: memref<10000x128xf32, #tpu.memory_space<hbm>>, %arg3: memref<2x2560x128xi32, #tpu.memory_space<hbm>>, %arg4: memref<640x128xf32, #tpu.memory_space<hbm>>, %arg5: memref<2x10240x128xf32, #tpu.memory_space<hbm>>, %arg6: memref<2x40x128xi32, #tpu.memory_space<vmem>>, %arg7: memref<128xi32, #tpu.memory_space<vmem>>, %arg8: memref<128xi32, #tpu.memory_space<vmem>>, %arg9: memref<128x128xf32, #tpu.memory_space<vmem>>, %arg10: memref<128x128xf32, #tpu.memory_space<vmem>>, %arg11: memref<10240x128xf32, #tpu.memory_space<vmem_shared>>, %arg12: memref<!tpu.dma_semaphore, #tpu.memory_space<semaphore_mem>>, %arg13: memref<!tpu.dma_semaphore, #tpu.memory_space<semaphore_mem>>) attributes {dimension_semantics = [#tpu.dimension_semantics<core_parallel>, #tpu.dimension_semantics<subcore_parallel>], iteration_bounds = array<i64: 2, 16>, scalar_prefetch = 0 : i64, scratch_operands = 8 : i64, tpu.core_type = #tpu.core_type<sc_vector_subcore>, window_params = [{transform_indices = #map}, {transform_indices = #map1}, {transform_indices = #map}, {transform_indices = #map1}]} {
    %mul3A = arith.constant 2 : i32
    %mul3A_0 = arith.muli %arg1, %mul3A : i32
    %add3A = arith.addi %mul3A_0, %arg0 : i32
    %mul3A_1 = arith.constant 640 : i32
    %mul3A_2 = arith.muli %arg1, %mul3A_1 : i32
    "tpu.region"() ({
      %run_scoped3A = tpu.sem_alloc : memref<!tpu.dma_semaphore, #tpu.memory_space<semaphore_mem>>
      %dma_start3A = arith.constant 0 : i32
      %dma_start3A_15 = tpu.memref_slice %arg11[%mul3A_2, %dma_start3A] : memref<10240x128xf32, #tpu.memory_space<vmem_shared>> -> memref<640x128xf32, #tpu.memory_space<vmem_shared>>
      tpu.enqueue_dma source(%arg4 : memref<640x128xf32, #tpu.memory_space<hbm>>) target(%dma_start3A_15 : memref<640x128xf32, #tpu.memory_space<vmem_shared>>) target_semaphore(%run_scoped3A : memref<!tpu.dma_semaphore, #tpu.memory_space<semaphore_mem>>)
      %dma_wait3A = arith.constant 0 : i32
      %dma_wait3A_16 = tpu.memref_slice %arg11[%mul3A_2, %dma_wait3A] : memref<10240x128xf32, #tpu.memory_space<vmem_shared>> -> memref<640x128xf32, #tpu.memory_space<vmem_shared>>
      tpu.wait_dma2 semaphore(%run_scoped3A : memref<!tpu.dma_semaphore, #tpu.memory_space<semaphore_mem>>) src(%arg4 : memref<640x128xf32, #tpu.memory_space<hbm>>) dst(%dma_wait3A_16 : memref<640x128xf32, #tpu.memory_space<vmem_shared>>)
      tpu.yield
    }) : () -> ()
    %barrier3A = arith.constant 0 : index
    tpu.barrier barrier_id(%barrier3A)
    %mul3A_3 = arith.constant 80 : i32
    %mul3A_4 = arith.muli %add3A, %mul3A_3 : i32
    %scan3A = arith.constant 0 : i32
    %scan3A_5 = arith.constant 0 : i32
    %scan3A_6 = arith.constant 2 : i32
    %scan3A_7 = arith.addi %scan3A_5, %scan3A_6 : i32
    %scan3A_8 = arith.constant 1 : i32
    scf.for %scan3A_15 = %scan3A_5 to %scan3A_7 step %scan3A_8  : i32 {
      %mul3A_16 = arith.constant 40 : i32
      %mul3A_17 = arith.muli %scan3A_15, %mul3A_16 : i32
      %add3A_18 = arith.addi %mul3A_4, %mul3A_17 : i32
      "tpu.region"() ({
        %run_scoped3A = tpu.sem_alloc : memref<!tpu.dma_semaphore, #tpu.memory_space<semaphore_mem>>
        %dma_start3A_32 = arith.constant 0 : i32
        %dma_start3A_33 = arith.constant 0 : i32
        %dma_start3A_34 = tpu.memref_slice %arg3[%dma_start3A_32, %add3A_18, %dma_start3A_33] : memref<2x2560x128xi32, #tpu.memory_space<hbm>> -> memref<2x40x128xi32, #tpu.memory_space<hbm>>
        %dma_start3A_35 = arith.constant 0 : i32
        %dma_start3A_36 = arith.constant 0 : i32
        %dma_start3A_37 = tpu.memref_slice %arg3[%dma_start3A_35, %add3A_18, %dma_start3A_36] : memref<2x2560x128xi32, #tpu.memory_space<hbm>> -> memref<2x40x128xi32, #tpu.memory_space<hbm>>
        tpu.enqueue_dma source(%dma_start3A_37 : memref<2x40x128xi32, #tpu.memory_space<hbm>>) target(%arg6 : memref<2x40x128xi32, #tpu.memory_space<vmem>>) target_semaphore(%run_scoped3A : memref<!tpu.dma_semaphore, #tpu.memory_space<semaphore_mem>>)
        %dma_wait3A = arith.constant 0 : i32
        %dma_wait3A_38 = arith.constant 0 : i32
        %dma_wait3A_39 = tpu.memref_slice %arg3[%dma_wait3A, %add3A_18, %dma_wait3A_38] : memref<2x2560x128xi32, #tpu.memory_space<hbm>> -> memref<2x40x128xi32, #tpu.memory_space<hbm>>
        %dma_wait3A_40 = arith.constant 0 : i32
        %dma_wait3A_41 = arith.constant 0 : i32
        %dma_wait3A_42 = tpu.memref_slice %arg3[%dma_wait3A_40, %add3A_18, %dma_wait3A_41] : memref<2x2560x128xi32, #tpu.memory_space<hbm>> -> memref<2x40x128xi32, #tpu.memory_space<hbm>>
        tpu.wait_dma2 semaphore(%run_scoped3A : memref<!tpu.dma_semaphore, #tpu.memory_space<semaphore_mem>>) src(%dma_wait3A_42 : memref<2x40x128xi32, #tpu.memory_space<hbm>>) dst(%arg6 : memref<2x40x128xi32, #tpu.memory_space<vmem>>)
        tpu.yield
      }) : () -> ()
      %dma_start3A = arith.constant 0 : i32
      %dma_start3A_19 = arith.constant 0 : i32
      %dma_start3A_20 = arith.constant 0 : i32
      %dma_start3A_21 = tpu.memref_slice %arg6[%dma_start3A, %dma_start3A_19, %dma_start3A_20] : memref<2x40x128xi32, #tpu.memory_space<vmem>> -> memref<1x1x128xi32, #tpu.memory_space<vmem>>
      %dma_start3A_22 = tpu.memref_squeeze %dma_start3A_21 : memref<1x1x128xi32, #tpu.memory_space<vmem>> -> memref<128xi32, #tpu.memory_space<vmem>>
      %dma_start3A_23 = arith.constant 0 : i32
      %dma_start3A_24 = arith.constant 0 : i32
      %dma_start3A_25 = tpu.memref_slice %arg2[%dma_start3A_23, %dma_start3A_24] : memref<10000x128xf32, #tpu.memory_space<hbm>> -> memref<10000x128xf32, #tpu.memory_space<hbm>>
      tpu.enqueue_indirect_dma source(%dma_start3A_25 : memref<10000x128xf32, #tpu.memory_space<hbm>>) target(%arg9 : memref<128x128xf32, #tpu.memory_space<vmem>>) offsets(%dma_start3A_22 : memref<128xi32, #tpu.memory_space<vmem>>) semaphore(%arg12 : memref<!tpu.dma_semaphore, #tpu.memory_space<semaphore_mem>>)
      %scan3A_26 = arith.constant 0 : i32
      %scan3A_27 = arith.constant 0 : i32
      %scan3A_28 = arith.constant 20 : i32
      %scan3A_29 = arith.addi %scan3A_27, %scan3A_28 : i32
      %scan3A_30 = arith.constant 1 : i32
      scf.for %scan3A_32 = %scan3A_27 to %scan3A_29 step %scan3A_30  : i32 {
        %mul3A_33 = arith.constant 2 : i32
        %mul3A_34 = arith.muli %scan3A_32, %mul3A_33 : i32
        %add3A_35 = arith.constant 1 : i32
        %add3A_36 = arith.addi %mul3A_34, %add3A_35 : i32
        %dma_start3A_37 = arith.constant 0 : i32
        %dma_start3A_38 = arith.constant 0 : i32
        %dma_start3A_39 = tpu.memref_slice %arg6[%dma_start3A_37, %add3A_36, %dma_start3A_38] : memref<2x40x128xi32, #tpu.memory_space<vmem>> -> memref<1x1x128xi32, #tpu.memory_space<vmem>>
        %dma_start3A_40 = tpu.memref_squeeze %dma_start3A_39 : memref<1x1x128xi32, #tpu.memory_space<vmem>> -> memref<128xi32, #tpu.memory_space<vmem>>
        %dma_start3A_41 = arith.constant 0 : i32
        %dma_start3A_42 = arith.constant 0 : i32
        %dma_start3A_43 = tpu.memref_slice %arg2[%dma_start3A_41, %dma_start3A_42] : memref<10000x128xf32, #tpu.memory_space<hbm>> -> memref<10000x128xf32, #tpu.memory_space<hbm>>
        tpu.enqueue_indirect_dma source(%dma_start3A_43 : memref<10000x128xf32, #tpu.memory_space<hbm>>) target(%arg10 : memref<128x128xf32, #tpu.memory_space<vmem>>) offsets(%dma_start3A_40 : memref<128xi32, #tpu.memory_space<vmem>>) semaphore(%arg13 : memref<!tpu.dma_semaphore, #tpu.memory_space<semaphore_mem>>)
        %dma_wait3A = arith.constant 0 : i32
        %dma_wait3A_44 = arith.constant 0 : i32
        %dma_wait3A_45 = tpu.memref_slice %arg2[%dma_wait3A, %dma_wait3A_44] : memref<10000x128xf32, #tpu.memory_space<hbm>> -> memref<128x128xf32, #tpu.memory_space<hbm>>
        %dma_wait3A_46 = arith.constant 0 : i32
        %dma_wait3A_47 = arith.constant 0 : i32
        %dma_wait3A_48 = tpu.memref_slice %arg2[%dma_wait3A_46, %dma_wait3A_47] : memref<10000x128xf32, #tpu.memory_space<hbm>> -> memref<128x128xf32, #tpu.memory_space<hbm>>
        tpu.wait_dma2 semaphore(%arg12 : memref<!tpu.dma_semaphore, #tpu.memory_space<semaphore_mem>>) src(%dma_wait3A_48 : memref<128x128xf32, #tpu.memory_space<hbm>>) dst(%arg9 : memref<128x128xf32, #tpu.memory_space<vmem>>)
        %get3A = arith.constant 1 : i32
        %get3A_49 = arith.index_cast %get3A : i32 to index
        %get3A_50 = arith.index_cast %mul3A_34 : i32 to index
        %get3A_51 = arith.constant 0 : index
        %get3A_52 = tpu.vector_load %arg6[%get3A_49, %get3A_50, %get3A_51] {strides = array<i32>} : memref<2x40x128xi32, #tpu.memory_space<vmem>>, vector<1x1x16xi32>,
        %get3A_53 = vector.shape_cast %get3A_52 : vector<1x1x16xi32> to vector<16xi32>
        %mul3A_54 = arith.constant 3277 : i32
        %mul3A_55 = vector.broadcast %mul3A_54 : i32 to vector<16xi32>
        %mul3A_56 = arith.muli %get3A_53, %mul3A_55 : vector<16xi32>
        %shift_right_logical3A = arith.constant 16 : i32
        %shift_right_logical3A_57 = vector.broadcast %shift_right_logical3A : i32 to vector<16xi32>
        %shift_right_logical3A_58 = arith.shrui %mul3A_56, %shift_right_logical3A_57 : vector<16xi32>
        %mul3A_59 = arith.constant 20 : i32
        %mul3A_60 = vector.broadcast %mul3A_59 : i32 to vector<16xi32>
        %mul3A_61 = arith.muli %shift_right_logical3A_58, %mul3A_60 : vector<16xi32>
        %sub3A = arith.subi %get3A_53, %mul3A_61 : vector<16xi32>
        %shift_left3A = arith.constant 9 : i32
        %shift_left3A_62 = vector.broadcast %shift_left3A : i32 to vector<16xi32>
        %shift_left3A_63 = arith.shli %sub3A, %shift_left3A_62 : vector<16xi32>
        %add3A_64 = arith.addi %shift_left3A_63, %shift_right_logical3A_58 : vector<16xi32>
        %swap3A = arith.constant 0 : index
        %swap3A_65 = tpu.vector_load %arg7[%swap3A] {strides = array<i32>} : memref<128xi32, #tpu.memory_space<vmem>>, vector<16xi32>,
        %swap3A_66 = vector.shape_cast %swap3A_65 : vector<16xi32> to vector<16xi32>
        %swap3A_67 = vector.shape_cast %add3A_64 : vector<16xi32> to vector<16xi32>
        tpu.vector_store %arg7[%swap3A], %swap3A_67 {strides = array<i32>} : memref<128xi32, #tpu.memory_space<vmem>>, vector<16xi32>,
        %get3A_68 = arith.constant 1 : i32
        %get3A_69 = arith.index_cast %get3A_68 : i32 to index
        %get3A_70 = arith.index_cast %mul3A_34 : i32 to index
        %get3A_71 = arith.constant 16 : index
        %get3A_72 = tpu.vector_load %arg6[%get3A_69, %get3A_70, %get3A_71] {strides = array<i32>} : memref<2x40x128xi32, #tpu.memory_space<vmem>>, vector<1x1x16xi32>,
        %get3A_73 = vector.shape_cast %get3A_72 : vector<1x1x16xi32> to vector<16xi32>
        %mul3A_74 = arith.constant 3277 : i32
        %mul3A_75 = vector.broadcast %mul3A_74 : i32 to vector<16xi32>
        %mul3A_76 = arith.muli %get3A_73, %mul3A_75 : vector<16xi32>
        %shift_right_logical3A_77 = arith.constant 16 : i32
        %shift_right_logical3A_78 = vector.broadcast %shift_right_logical3A_77 : i32 to vector<16xi32>
        %shift_right_logical3A_79 = arith.shrui %mul3A_76, %shift_right_logical3A_78 : vector<16xi32>
        %mul3A_80 = arith.constant 20 : i32
        %mul3A_81 = vector.broadcast %mul3A_80 : i32 to vector<16xi32>
        %mul3A_82 = arith.muli %shift_right_logical3A_79, %mul3A_81 : vector<16xi32>
        %sub3A_83 = arith.subi %get3A_73, %mul3A_82 : vector<16xi32>
        %shift_left3A_84 = arith.constant 9 : i32
        %shift_left3A_85 = vector.broadcast %shift_left3A_84 : i32 to vector<16xi32>
        %shift_left3A_86 = arith.shli %sub3A_83, %shift_left3A_85 : vector<16xi32>
        %add3A_87 = arith.addi %shift_left3A_86, %shift_right_logical3A_79 : vector<16xi32>
        %swap3A_88 = arith.constant 16 : index
        %swap3A_89 = tpu.vector_load %arg7[%swap3A_88] {strides = array<i32>} : memref<128xi32, #tpu.memory_space<vmem>>, vector<16xi32>,
        %swap3A_90 = vector.shape_cast %swap3A_89 : vector<16xi32> to vector<16xi32>
        %swap3A_91 = vector.shape_cast %add3A_87 : vector<16xi32> to vector<16xi32>
        tpu.vector_store %arg7[%swap3A_88], %swap3A_91 {strides = array<i32>} : memref<128xi32, #tpu.memory_space<vmem>>, vector<16xi32>,
        %get3A_92 = arith.constant 1 : i32
        %get3A_93 = arith.index_cast %get3A_92 : i32 to index
        %get3A_94 = arith.index_cast %mul3A_34 : i32 to index
        %get3A_95 = arith.constant 32 : index
        %get3A_96 = tpu.vector_load %arg6[%get3A_93, %get3A_94, %get3A_95] {strides = array<i32>} : memref<2x40x128xi32, #tpu.memory_space<vmem>>, vector<1x1x16xi32>,
        %get3A_97 = vector.shape_cast %get3A_96 : vector<1x1x16xi32> to vector<16xi32>
        %mul3A_98 = arith.constant 3277 : i32
        %mul3A_99 = vector.broadcast %mul3A_98 : i32 to vector<16xi32>
        %mul3A_100 = arith.muli %get3A_97, %mul3A_99 : vector<16xi32>
        %shift_right_logical3A_101 = arith.constant 16 : i32
        %shift_right_logical3A_102 = vector.broadcast %shift_right_logical3A_101 : i32 to vector<16xi32>
        %shift_right_logical3A_103 = arith.shrui %mul3A_100, %shift_right_logical3A_102 : vector<16xi32>
        %mul3A_104 = arith.constant 20 : i32
        %mul3A_105 = vector.broadcast %mul3A_104 : i32 to vector<16xi32>
        %mul3A_106 = arith.muli %shift_right_logical3A_103, %mul3A_105 : vector<16xi32>
        %sub3A_107 = arith.subi %get3A_97, %mul3A_106 : vector<16xi32>
        %shift_left3A_108 = arith.constant 9 : i32
        %shift_left3A_109 = vector.broadcast %shift_left3A_108 : i32 to vector<16xi32>
        %shift_left3A_110 = arith.shli %sub3A_107, %shift_left3A_109 : vector<16xi32>
        %add3A_111 = arith.addi %shift_left3A_110, %shift_right_logical3A_103 : vector<16xi32>
        %swap3A_112 = arith.constant 32 : index
        %swap3A_113 = tpu.vector_load %arg7[%swap3A_112] {strides = array<i32>} : memref<128xi32, #tpu.memory_space<vmem>>, vector<16xi32>,
        %swap3A_114 = vector.shape_cast %swap3A_113 : vector<16xi32> to vector<16xi32>
        %swap3A_115 = vector.shape_cast %add3A_111 : vector<16xi32> to vector<16xi32>
        tpu.vector_store %arg7[%swap3A_112], %swap3A_115 {strides = array<i32>} : memref<128xi32, #tpu.memory_space<vmem>>, vector<16xi32>,
        %get3A_116 = arith.constant 1 : i32
        %get3A_117 = arith.index_cast %get3A_116 : i32 to index
        %get3A_118 = arith.index_cast %mul3A_34 : i32 to index
        %get3A_119 = arith.constant 48 : index
        %get3A_120 = tpu.vector_load %arg6[%get3A_117, %get3A_118, %get3A_119] {strides = array<i32>} : memref<2x40x128xi32, #tpu.memory_space<vmem>>, vector<1x1x16xi32>,
        %get3A_121 = vector.shape_cast %get3A_120 : vector<1x1x16xi32> to vector<16xi32>
        %mul3A_122 = arith.constant 3277 : i32
        %mul3A_123 = vector.broadcast %mul3A_122 : i32 to vector<16xi32>
        %mul3A_124 = arith.muli %get3A_121, %mul3A_123 : vector<16xi32>
        %shift_right_logical3A_125 = arith.constant 16 : i32
        %shift_right_logical3A_126 = vector.broadcast %shift_right_logical3A_125 : i32 to vector<16xi32>
        %shift_right_logical3A_127 = arith.shrui %mul3A_124, %shift_right_logical3A_126 : vector<16xi32>
        %mul3A_128 = arith.constant 20 : i32
        %mul3A_129 = vector.broadcast %mul3A_128 : i32 to vector<16xi32>
        %mul3A_130 = arith.muli %shift_right_logical3A_127, %mul3A_129 : vector<16xi32>
        %sub3A_131 = arith.subi %get3A_121, %mul3A_130 : vector<16xi32>
        %shift_left3A_132 = arith.constant 9 : i32
        %shift_left3A_133 = vector.broadcast %shift_left3A_132 : i32 to vector<16xi32>
        %shift_left3A_134 = arith.shli %sub3A_131, %shift_left3A_133 : vector<16xi32>
        %add3A_135 = arith.addi %shift_left3A_134, %shift_right_logical3A_127 : vector<16xi32>
        %swap3A_136 = arith.constant 48 : index
        %swap3A_137 = tpu.vector_load %arg7[%swap3A_136] {strides = array<i32>} : memref<128xi32, #tpu.memory_space<vmem>>, vector<16xi32>,
        %swap3A_138 = vector.shape_cast %swap3A_137 : vector<16xi32> to vector<16xi32>
        %swap3A_139 = vector.shape_cast %add3A_135 : vector<16xi32> to vector<16xi32>
        tpu.vector_store %arg7[%swap3A_136], %swap3A_139 {strides = array<i32>} : memref<128xi32, #tpu.memory_space<vmem>>, vector<16xi32>,
        %get3A_140 = arith.constant 1 : i32
        %get3A_141 = arith.index_cast %get3A_140 : i32 to index
        %get3A_142 = arith.index_cast %mul3A_34 : i32 to index
        %get3A_143 = arith.constant 64 : index
        %get3A_144 = tpu.vector_load %arg6[%get3A_141, %get3A_142, %get3A_143] {strides = array<i32>} : memref<2x40x128xi32, #tpu.memory_space<vmem>>, vector<1x1x16xi32>,
        %get3A_145 = vector.shape_cast %get3A_144 : vector<1x1x16xi32> to vector<16xi32>
        %mul3A_146 = arith.constant 3277 : i32
        %mul3A_147 = vector.broadcast %mul3A_146 : i32 to vector<16xi32>
        %mul3A_148 = arith.muli %get3A_145, %mul3A_147 : vector<16xi32>
        %shift_right_logical3A_149 = arith.constant 16 : i32
        %shift_right_logical3A_150 = vector.broadcast %shift_right_logical3A_149 : i32 to vector<16xi32>
        %shift_right_logical3A_151 = arith.shrui %mul3A_148, %shift_right_logical3A_150 : vector<16xi32>
        %mul3A_152 = arith.constant 20 : i32
        %mul3A_153 = vector.broadcast %mul3A_152 : i32 to vector<16xi32>
        %mul3A_154 = arith.muli %shift_right_logical3A_151, %mul3A_153 : vector<16xi32>
        %sub3A_155 = arith.subi %get3A_145, %mul3A_154 : vector<16xi32>
        %shift_left3A_156 = arith.constant 9 : i32
        %shift_left3A_157 = vector.broadcast %shift_left3A_156 : i32 to vector<16xi32>
        %shift_left3A_158 = arith.shli %sub3A_155, %shift_left3A_157 : vector<16xi32>
        %add3A_159 = arith.addi %shift_left3A_158, %shift_right_logical3A_151 : vector<16xi32>
        %swap3A_160 = arith.constant 64 : index
        %swap3A_161 = tpu.vector_load %arg7[%swap3A_160] {strides = array<i32>} : memref<128xi32, #tpu.memory_space<vmem>>, vector<16xi32>,
        %swap3A_162 = vector.shape_cast %swap3A_161 : vector<16xi32> to vector<16xi32>
        %swap3A_163 = vector.shape_cast %add3A_159 : vector<16xi32> to vector<16xi32>
        tpu.vector_store %arg7[%swap3A_160], %swap3A_163 {strides = array<i32>} : memref<128xi32, #tpu.memory_space<vmem>>, vector<16xi32>,
        %get3A_164 = arith.constant 1 : i32
        %get3A_165 = arith.index_cast %get3A_164 : i32 to index
        %get3A_166 = arith.index_cast %mul3A_34 : i32 to index
        %get3A_167 = arith.constant 80 : index
        %get3A_168 = tpu.vector_load %arg6[%get3A_165, %get3A_166, %get3A_167] {strides = array<i32>} : memref<2x40x128xi32, #tpu.memory_space<vmem>>, vector<1x1x16xi32>,
        %get3A_169 = vector.shape_cast %get3A_168 : vector<1x1x16xi32> to vector<16xi32>
        %mul3A_170 = arith.constant 3277 : i32
        %mul3A_171 = vector.broadcast %mul3A_170 : i32 to vector<16xi32>
        %mul3A_172 = arith.muli %get3A_169, %mul3A_171 : vector<16xi32>
        %shift_right_logical3A_173 = arith.constant 16 : i32
        %shift_right_logical3A_174 = vector.broadcast %shift_right_logical3A_173 : i32 to vector<16xi32>
        %shift_right_logical3A_175 = arith.shrui %mul3A_172, %shift_right_logical3A_174 : vector<16xi32>
        %mul3A_176 = arith.constant 20 : i32
        %mul3A_177 = vector.broadcast %mul3A_176 : i32 to vector<16xi32>
        %mul3A_178 = arith.muli %shift_right_logical3A_175, %mul3A_177 : vector<16xi32>
        %sub3A_179 = arith.subi %get3A_169, %mul3A_178 : vector<16xi32>
        %shift_left3A_180 = arith.constant 9 : i32
        %shift_left3A_181 = vector.broadcast %shift_left3A_180 : i32 to vector<16xi32>
        %shift_left3A_182 = arith.shli %sub3A_179, %shift_left3A_181 : vector<16xi32>
        %add3A_183 = arith.addi %shift_left3A_182, %shift_right_logical3A_175 : vector<16xi32>
        %swap3A_184 = arith.constant 80 : index
        %swap3A_185 = tpu.vector_load %arg7[%swap3A_184] {strides = array<i32>} : memref<128xi32, #tpu.memory_space<vmem>>, vector<16xi32>,
        %swap3A_186 = vector.shape_cast %swap3A_185 : vector<16xi32> to vector<16xi32>
        %swap3A_187 = vector.shape_cast %add3A_183 : vector<16xi32> to vector<16xi32>
        tpu.vector_store %arg7[%swap3A_184], %swap3A_187 {strides = array<i32>} : memref<128xi32, #tpu.memory_space<vmem>>, vector<16xi32>,
        %get3A_188 = arith.constant 1 : i32
        %get3A_189 = arith.index_cast %get3A_188 : i32 to index
        %get3A_190 = arith.index_cast %mul3A_34 : i32 to index
        %get3A_191 = arith.constant 96 : index
        %get3A_192 = tpu.vector_load %arg6[%get3A_189, %get3A_190, %get3A_191] {strides = array<i32>} : memref<2x40x128xi32, #tpu.memory_space<vmem>>, vector<1x1x16xi32>,
        %get3A_193 = vector.shape_cast %get3A_192 : vector<1x1x16xi32> to vector<16xi32>
        %mul3A_194 = arith.constant 3277 : i32
        %mul3A_195 = vector.broadcast %mul3A_194 : i32 to vector<16xi32>
        %mul3A_196 = arith.muli %get3A_193, %mul3A_195 : vector<16xi32>
        %shift_right_logical3A_197 = arith.constant 16 : i32
        %shift_right_logical3A_198 = vector.broadcast %shift_right_logical3A_197 : i32 to vector<16xi32>
        %shift_right_logical3A_199 = arith.shrui %mul3A_196, %shift_right_logical3A_198 : vector<16xi32>
        %mul3A_200 = arith.constant 20 : i32
        %mul3A_201 = vector.broadcast %mul3A_200 : i32 to vector<16xi32>
        %mul3A_202 = arith.muli %shift_right_logical3A_199, %mul3A_201 : vector<16xi32>
        %sub3A_203 = arith.subi %get3A_193, %mul3A_202 : vector<16xi32>
        %shift_left3A_204 = arith.constant 9 : i32
        %shift_left3A_205 = vector.broadcast %shift_left3A_204 : i32 to vector<16xi32>
        %shift_left3A_206 = arith.shli %sub3A_203, %shift_left3A_205 : vector<16xi32>
        %add3A_207 = arith.addi %shift_left3A_206, %shift_right_logical3A_199 : vector<16xi32>
        %swap3A_208 = arith.constant 96 : index
        %swap3A_209 = tpu.vector_load %arg7[%swap3A_208] {strides = array<i32>} : memref<128xi32, #tpu.memory_space<vmem>>, vector<16xi32>,
        %swap3A_210 = vector.shape_cast %swap3A_209 : vector<16xi32> to vector<16xi32>
        %swap3A_211 = vector.shape_cast %add3A_207 : vector<16xi32> to vector<16xi32>
        tpu.vector_store %arg7[%swap3A_208], %swap3A_211 {strides = array<i32>} : memref<128xi32, #tpu.memory_space<vmem>>, vector<16xi32>,
        %get3A_212 = arith.constant 1 : i32
        %get3A_213 = arith.index_cast %get3A_212 : i32 to index
        %get3A_214 = arith.index_cast %mul3A_34 : i32 to index
        %get3A_215 = arith.constant 112 : index
        %get3A_216 = tpu.vector_load %arg6[%get3A_213, %get3A_214, %get3A_215] {strides = array<i32>} : memref<2x40x128xi32, #tpu.memory_space<vmem>>, vector<1x1x16xi32>,
        %get3A_217 = vector.shape_cast %get3A_216 : vector<1x1x16xi32> to vector<16xi32>
        %mul3A_218 = arith.constant 3277 : i32
        %mul3A_219 = vector.broadcast %mul3A_218 : i32 to vector<16xi32>
        %mul3A_220 = arith.muli %get3A_217, %mul3A_219 : vector<16xi32>
        %shift_right_logical3A_221 = arith.constant 16 : i32
        %shift_right_logical3A_222 = vector.broadcast %shift_right_logical3A_221 : i32 to vector<16xi32>
        %shift_right_logical3A_223 = arith.shrui %mul3A_220, %shift_right_logical3A_222 : vector<16xi32>
        %mul3A_224 = arith.constant 20 : i32
        %mul3A_225 = vector.broadcast %mul3A_224 : i32 to vector<16xi32>
        %mul3A_226 = arith.muli %shift_right_logical3A_223, %mul3A_225 : vector<16xi32>
        %sub3A_227 = arith.subi %get3A_217, %mul3A_226 : vector<16xi32>
        %shift_left3A_228 = arith.constant 9 : i32
        %shift_left3A_229 = vector.broadcast %shift_left3A_228 : i32 to vector<16xi32>
        %shift_left3A_230 = arith.shli %sub3A_227, %shift_left3A_229 : vector<16xi32>
        %add3A_231 = arith.addi %shift_left3A_230, %shift_right_logical3A_223 : vector<16xi32>
        %swap3A_232 = arith.constant 112 : index
        %swap3A_233 = tpu.vector_load %arg7[%swap3A_232] {strides = array<i32>} : memref<128xi32, #tpu.memory_space<vmem>>, vector<16xi32>,
        %swap3A_234 = vector.shape_cast %swap3A_233 : vector<16xi32> to vector<16xi32>
        %swap3A_235 = vector.shape_cast %add3A_231 : vector<16xi32> to vector<16xi32>
        tpu.vector_store %arg7[%swap3A_232], %swap3A_235 {strides = array<i32>} : memref<128xi32, #tpu.memory_space<vmem>>, vector<16xi32>,
        "tpu.region"() ({
          %run_scoped3A = tpu.sem_alloc : memref<!tpu.dma_semaphore, #tpu.memory_space<semaphore_mem>>
          %dma_start3A_440 = arith.constant 0 : i32
          %dma_start3A_441 = arith.constant 0 : i32
          %dma_start3A_442 = tpu.memref_slice %arg11[%dma_start3A_440, %dma_start3A_441] : memref<10240x128xf32, #tpu.memory_space<vmem_shared>> -> memref<10240x128xf32, #tpu.memory_space<vmem_shared>>
          tpu.enqueue_indirect_dma source(%arg9 : memref<128x128xf32, #tpu.memory_space<vmem>>) target(%dma_start3A_442 : memref<10240x128xf32, #tpu.memory_space<vmem_shared>>) offsets(%arg7 : memref<128xi32, #tpu.memory_space<vmem>>) semaphore(%run_scoped3A : memref<!tpu.dma_semaphore, #tpu.memory_space<semaphore_mem>>) {add = true}
          %dma_wait3A_443 = arith.constant 0 : i32
          %dma_wait3A_444 = arith.constant 0 : i32
          %dma_wait3A_445 = tpu.memref_slice %arg11[%dma_wait3A_443, %dma_wait3A_444] : memref<10240x128xf32, #tpu.memory_space<vmem_shared>> -> memref<10240x128xf32, #tpu.memory_space<vmem_shared>>
          tpu.wait_indirect_dma semaphore(%run_scoped3A : memref<!tpu.dma_semaphore, #tpu.memory_space<semaphore_mem>>) src(%arg9 : memref<128x128xf32, #tpu.memory_space<vmem>>) dst(%dma_wait3A_445 : memref<10240x128xf32, #tpu.memory_space<vmem_shared>>)
          tpu.yield
        }) : () -> ()
        %add3A_236 = arith.constant 2 : i32
        %add3A_237 = arith.addi %mul3A_34, %add3A_236 : i32
        %lt3A = arith.constant 40 : i32
        %lt3A_238 = arith.cmpi slt, %add3A_237, %lt3A : i32
        %convert_element_type3A = arith.extui %lt3A_238 : i1 to i32
        %cond3A = arith.constant 0 : i32
        %cond3A_239 = arith.cmpi ne, %convert_element_type3A, %cond3A : i32
        scf.if %cond3A_239 {
          %add3A_440 = arith.constant 2 : i32
          %add3A_441 = arith.addi %mul3A_34, %add3A_440 : i32
          %dma_start3A_442 = arith.constant 0 : i32
          %dma_start3A_443 = arith.constant 0 : i32
          %dma_start3A_444 = tpu.memref_slice %arg6[%dma_start3A_442, %add3A_441, %dma_start3A_443] : memref<2x40x128xi32, #tpu.memory_space<vmem>> -> memref<1x1x128xi32, #tpu.memory_space<vmem>>
          %dma_start3A_445 = tpu.memref_squeeze %dma_start3A_444 : memref<1x1x128xi32, #tpu.memory_space<vmem>> -> memref<128xi32, #tpu.memory_space<vmem>>
          %dma_start3A_446 = arith.constant 0 : i32
          %dma_start3A_447 = arith.constant 0 : i32
          %dma_start3A_448 = tpu.memref_slice %arg2[%dma_start3A_446, %dma_start3A_447] : memref<10000x128xf32, #tpu.memory_space<hbm>> -> memref<10000x128xf32, #tpu.memory_space<hbm>>
          tpu.enqueue_indirect_dma source(%dma_start3A_448 : memref<10000x128xf32, #tpu.memory_space<hbm>>) target(%arg9 : memref<128x128xf32, #tpu.memory_space<vmem>>) offsets(%dma_start3A_445 : memref<128xi32, #tpu.memory_space<vmem>>) semaphore(%arg12 : memref<!tpu.dma_semaphore, #tpu.memory_space<semaphore_mem>>)
        } else {
        }
        %dma_wait3A_240 = arith.constant 0 : i32
        %dma_wait3A_241 = arith.constant 0 : i32
        %dma_wait3A_242 = tpu.memref_slice %arg2[%dma_wait3A_240, %dma_wait3A_241] : memref<10000x128xf32, #tpu.memory_space<hbm>> -> memref<128x128xf32, #tpu.memory_space<hbm>>
        %dma_wait3A_243 = arith.constant 0 : i32
        %dma_wait3A_244 = arith.constant 0 : i32
        %dma_wait3A_245 = tpu.memref_slice %arg2[%dma_wait3A_243, %dma_wait3A_244] : memref<10000x128xf32, #tpu.memory_space<hbm>> -> memref<128x128xf32, #tpu.memory_space<hbm>>
        tpu.wait_dma2 semaphore(%arg13 : memref<!tpu.dma_semaphore, #tpu.memory_space<semaphore_mem>>) src(%dma_wait3A_245 : memref<128x128xf32, #tpu.memory_space<hbm>>) dst(%arg10 : memref<128x128xf32, #tpu.memory_space<vmem>>)
        %add3A_246 = arith.constant 1 : i32
        %add3A_247 = arith.addi %mul3A_34, %add3A_246 : i32
        %get3A_248 = arith.constant 1 : i32
        %get3A_249 = arith.index_cast %get3A_248 : i32 to index
        %get3A_250 = arith.index_cast %add3A_247 : i32 to index
        %get3A_251 = arith.constant 0 : index
        %get3A_252 = tpu.vector_load %arg6[%get3A_249, %get3A_250, %get3A_251] {strides = array<i32>} : memref<2x40x128xi32, #tpu.memory_space<vmem>>, vector<1x1x16xi32>,
        %get3A_253 = vector.shape_cast %get3A_252 : vector<1x1x16xi32> to vector<16xi32>
        %mul3A_254 = arith.constant 3277 : i32
        %mul3A_255 = vector.broadcast %mul3A_254 : i32 to vector<16xi32>
        %mul3A_256 = arith.muli %get3A_253, %mul3A_255 : vector<16xi32>
        %shift_right_logical3A_257 = arith.constant 16 : i32
        %shift_right_logical3A_258 = vector.broadcast %shift_right_logical3A_257 : i32 to vector<16xi32>
        %shift_right_logical3A_259 = arith.shrui %mul3A_256, %shift_right_logical3A_258 : vector<16xi32>
        %mul3A_260 = arith.constant 20 : i32
        %mul3A_261 = vector.broadcast %mul3A_260 : i32 to vector<16xi32>
        %mul3A_262 = arith.muli %shift_right_logical3A_259, %mul3A_261 : vector<16xi32>
        %sub3A_263 = arith.subi %get3A_253, %mul3A_262 : vector<16xi32>
        %shift_left3A_264 = arith.constant 9 : i32
        %shift_left3A_265 = vector.broadcast %shift_left3A_264 : i32 to vector<16xi32>
        %shift_left3A_266 = arith.shli %sub3A_263, %shift_left3A_265 : vector<16xi32>
        %add3A_267 = arith.addi %shift_left3A_266, %shift_right_logical3A_259 : vector<16xi32>
        %swap3A_268 = arith.constant 0 : index
        %swap3A_269 = tpu.vector_load %arg8[%swap3A_268] {strides = array<i32>} : memref<128xi32, #tpu.memory_space<vmem>>, vector<16xi32>,
        %swap3A_270 = vector.shape_cast %swap3A_269 : vector<16xi32> to vector<16xi32>
        %swap3A_271 = vector.shape_cast %add3A_267 : vector<16xi32> to vector<16xi32>
        tpu.vector_store %arg8[%swap3A_268], %swap3A_271 {strides = array<i32>} : memref<128xi32, #tpu.memory_space<vmem>>, vector<16xi32>,
        %get3A_272 = arith.constant 1 : i32
        %get3A_273 = arith.index_cast %get3A_272 : i32 to index
        %get3A_274 = arith.index_cast %add3A_247 : i32 to index
        %get3A_275 = arith.constant 16 : index
        %get3A_276 = tpu.vector_load %arg6[%get3A_273, %get3A_274, %get3A_275] {strides = array<i32>} : memref<2x40x128xi32, #tpu.memory_space<vmem>>, vector<1x1x16xi32>,
        %get3A_277 = vector.shape_cast %get3A_276 : vector<1x1x16xi32> to vector<16xi32>
        %mul3A_278 = arith.constant 3277 : i32
        %mul3A_279 = vector.broadcast %mul3A_278 : i32 to vector<16xi32>
        %mul3A_280 = arith.muli %get3A_277, %mul3A_279 : vector<16xi32>
        %shift_right_logical3A_281 = arith.constant 16 : i32
        %shift_right_logical3A_282 = vector.broadcast %shift_right_logical3A_281 : i32 to vector<16xi32>
        %shift_right_logical3A_283 = arith.shrui %mul3A_280, %shift_right_logical3A_282 : vector<16xi32>
        %mul3A_284 = arith.constant 20 : i32
        %mul3A_285 = vector.broadcast %mul3A_284 : i32 to vector<16xi32>
        %mul3A_286 = arith.muli %shift_right_logical3A_283, %mul3A_285 : vector<16xi32>
        %sub3A_287 = arith.subi %get3A_277, %mul3A_286 : vector<16xi32>
        %shift_left3A_288 = arith.constant 9 : i32
        %shift_left3A_289 = vector.broadcast %shift_left3A_288 : i32 to vector<16xi32>
        %shift_left3A_290 = arith.shli %sub3A_287, %shift_left3A_289 : vector<16xi32>
        %add3A_291 = arith.addi %shift_left3A_290, %shift_right_logical3A_283 : vector<16xi32>
        %swap3A_292 = arith.constant 16 : index
        %swap3A_293 = tpu.vector_load %arg8[%swap3A_292] {strides = array<i32>} : memref<128xi32, #tpu.memory_space<vmem>>, vector<16xi32>,
        %swap3A_294 = vector.shape_cast %swap3A_293 : vector<16xi32> to vector<16xi32>
        %swap3A_295 = vector.shape_cast %add3A_291 : vector<16xi32> to vector<16xi32>
        tpu.vector_store %arg8[%swap3A_292], %swap3A_295 {strides = array<i32>} : memref<128xi32, #tpu.memory_space<vmem>>, vector<16xi32>,
        %get3A_296 = arith.constant 1 : i32
        %get3A_297 = arith.index_cast %get3A_296 : i32 to index
        %get3A_298 = arith.index_cast %add3A_247 : i32 to index
        %get3A_299 = arith.constant 32 : index
        %get3A_300 = tpu.vector_load %arg6[%get3A_297, %get3A_298, %get3A_299] {strides = array<i32>} : memref<2x40x128xi32, #tpu.memory_space<vmem>>, vector<1x1x16xi32>,
        %get3A_301 = vector.shape_cast %get3A_300 : vector<1x1x16xi32> to vector<16xi32>
        %mul3A_302 = arith.constant 3277 : i32
        %mul3A_303 = vector.broadcast %mul3A_302 : i32 to vector<16xi32>
        %mul3A_304 = arith.muli %get3A_301, %mul3A_303 : vector<16xi32>
        %shift_right_logical3A_305 = arith.constant 16 : i32
        %shift_right_logical3A_306 = vector.broadcast %shift_right_logical3A_305 : i32 to vector<16xi32>
        %shift_right_logical3A_307 = arith.shrui %mul3A_304, %shift_right_logical3A_306 : vector<16xi32>
        %mul3A_308 = arith.constant 20 : i32
        %mul3A_309 = vector.broadcast %mul3A_308 : i32 to vector<16xi32>
        %mul3A_310 = arith.muli %shift_right_logical3A_307, %mul3A_309 : vector<16xi32>
        %sub3A_311 = arith.subi %get3A_301, %mul3A_310 : vector<16xi32>
        %shift_left3A_312 = arith.constant 9 : i32
        %shift_left3A_313 = vector.broadcast %shift_left3A_312 : i32 to vector<16xi32>
        %shift_left3A_314 = arith.shli %sub3A_311, %shift_left3A_313 : vector<16xi32>
        %add3A_315 = arith.addi %shift_left3A_314, %shift_right_logical3A_307 : vector<16xi32>
        %swap3A_316 = arith.constant 32 : index
        %swap3A_317 = tpu.vector_load %arg8[%swap3A_316] {strides = array<i32>} : memref<128xi32, #tpu.memory_space<vmem>>, vector<16xi32>,
        %swap3A_318 = vector.shape_cast %swap3A_317 : vector<16xi32> to vector<16xi32>
        %swap3A_319 = vector.shape_cast %add3A_315 : vector<16xi32> to vector<16xi32>
        tpu.vector_store %arg8[%swap3A_316], %swap3A_319 {strides = array<i32>} : memref<128xi32, #tpu.memory_space<vmem>>, vector<16xi32>,
        %get3A_320 = arith.constant 1 : i32
        %get3A_321 = arith.index_cast %get3A_320 : i32 to index
        %get3A_322 = arith.index_cast %add3A_247 : i32 to index
        %get3A_323 = arith.constant 48 : index
        %get3A_324 = tpu.vector_load %arg6[%get3A_321, %get3A_322, %get3A_323] {strides = array<i32>} : memref<2x40x128xi32, #tpu.memory_space<vmem>>, vector<1x1x16xi32>,
        %get3A_325 = vector.shape_cast %get3A_324 : vector<1x1x16xi32> to vector<16xi32>
        %mul3A_326 = arith.constant 3277 : i32
        %mul3A_327 = vector.broadcast %mul3A_326 : i32 to vector<16xi32>
        %mul3A_328 = arith.muli %get3A_325, %mul3A_327 : vector<16xi32>
        %shift_right_logical3A_329 = arith.constant 16 : i32
        %shift_right_logical3A_330 = vector.broadcast %shift_right_logical3A_329 : i32 to vector<16xi32>
        %shift_right_logical3A_331 = arith.shrui %mul3A_328, %shift_right_logical3A_330 : vector<16xi32>
        %mul3A_332 = arith.constant 20 : i32
        %mul3A_333 = vector.broadcast %mul3A_332 : i32 to vector<16xi32>
        %mul3A_334 = arith.muli %shift_right_logical3A_331, %mul3A_333 : vector<16xi32>
        %sub3A_335 = arith.subi %get3A_325, %mul3A_334 : vector<16xi32>
        %shift_left3A_336 = arith.constant 9 : i32
        %shift_left3A_337 = vector.broadcast %shift_left3A_336 : i32 to vector<16xi32>
        %shift_left3A_338 = arith.shli %sub3A_335, %shift_left3A_337 : vector<16xi32>
        %add3A_339 = arith.addi %shift_left3A_338, %shift_right_logical3A_331 : vector<16xi32>
        %swap3A_340 = arith.constant 48 : index
        %swap3A_341 = tpu.vector_load %arg8[%swap3A_340] {strides = array<i32>} : memref<128xi32, #tpu.memory_space<vmem>>, vector<16xi32>,
        %swap3A_342 = vector.shape_cast %swap3A_341 : vector<16xi32> to vector<16xi32>
        %swap3A_343 = vector.shape_cast %add3A_339 : vector<16xi32> to vector<16xi32>
        tpu.vector_store %arg8[%swap3A_340], %swap3A_343 {strides = array<i32>} : memref<128xi32, #tpu.memory_space<vmem>>, vector<16xi32>,
        %get3A_344 = arith.constant 1 : i32
        %get3A_345 = arith.index_cast %get3A_344 : i32 to index
        %get3A_346 = arith.index_cast %add3A_247 : i32 to index
        %get3A_347 = arith.constant 64 : index
        %get3A_348 = tpu.vector_load %arg6[%get3A_345, %get3A_346, %get3A_347] {strides = array<i32>} : memref<2x40x128xi32, #tpu.memory_space<vmem>>, vector<1x1x16xi32>,
        %get3A_349 = vector.shape_cast %get3A_348 : vector<1x1x16xi32> to vector<16xi32>
        %mul3A_350 = arith.constant 3277 : i32
        %mul3A_351 = vector.broadcast %mul3A_350 : i32 to vector<16xi32>
        %mul3A_352 = arith.muli %get3A_349, %mul3A_351 : vector<16xi32>
        %shift_right_logical3A_353 = arith.constant 16 : i32
        %shift_right_logical3A_354 = vector.broadcast %shift_right_logical3A_353 : i32 to vector<16xi32>
        %shift_right_logical3A_355 = arith.shrui %mul3A_352, %shift_right_logical3A_354 : vector<16xi32>
        %mul3A_356 = arith.constant 20 : i32
        %mul3A_357 = vector.broadcast %mul3A_356 : i32 to vector<16xi32>
        %mul3A_358 = arith.muli %shift_right_logical3A_355, %mul3A_357 : vector<16xi32>
        %sub3A_359 = arith.subi %get3A_349, %mul3A_358 : vector<16xi32>
        %shift_left3A_360 = arith.constant 9 : i32
        %shift_left3A_361 = vector.broadcast %shift_left3A_360 : i32 to vector<16xi32>
        %shift_left3A_362 = arith.shli %sub3A_359, %shift_left3A_361 : vector<16xi32>
        %add3A_363 = arith.addi %shift_left3A_362, %shift_right_logical3A_355 : vector<16xi32>
        %swap3A_364 = arith.constant 64 : index
        %swap3A_365 = tpu.vector_load %arg8[%swap3A_364] {strides = array<i32>} : memref<128xi32, #tpu.memory_space<vmem>>, vector<16xi32>,
        %swap3A_366 = vector.shape_cast %swap3A_365 : vector<16xi32> to vector<16xi32>
        %swap3A_367 = vector.shape_cast %add3A_363 : vector<16xi32> to vector<16xi32>
        tpu.vector_store %arg8[%swap3A_364], %swap3A_367 {strides = array<i32>} : memref<128xi32, #tpu.memory_space<vmem>>, vector<16xi32>,
        %get3A_368 = arith.constant 1 : i32
        %get3A_369 = arith.index_cast %get3A_368 : i32 to index
        %get3A_370 = arith.index_cast %add3A_247 : i32 to index
        %get3A_371 = arith.constant 80 : index
        %get3A_372 = tpu.vector_load %arg6[%get3A_369, %get3A_370, %get3A_371] {strides = array<i32>} : memref<2x40x128xi32, #tpu.memory_space<vmem>>, vector<1x1x16xi32>,
        %get3A_373 = vector.shape_cast %get3A_372 : vector<1x1x16xi32> to vector<16xi32>
        %mul3A_374 = arith.constant 3277 : i32
        %mul3A_375 = vector.broadcast %mul3A_374 : i32 to vector<16xi32>
        %mul3A_376 = arith.muli %get3A_373, %mul3A_375 : vector<16xi32>
        %shift_right_logical3A_377 = arith.constant 16 : i32
        %shift_right_logical3A_378 = vector.broadcast %shift_right_logical3A_377 : i32 to vector<16xi32>
        %shift_right_logical3A_379 = arith.shrui %mul3A_376, %shift_right_logical3A_378 : vector<16xi32>
        %mul3A_380 = arith.constant 20 : i32
        %mul3A_381 = vector.broadcast %mul3A_380 : i32 to vector<16xi32>
        %mul3A_382 = arith.muli %shift_right_logical3A_379, %mul3A_381 : vector<16xi32>
        %sub3A_383 = arith.subi %get3A_373, %mul3A_382 : vector<16xi32>
        %shift_left3A_384 = arith.constant 9 : i32
        %shift_left3A_385 = vector.broadcast %shift_left3A_384 : i32 to vector<16xi32>
        %shift_left3A_386 = arith.shli %sub3A_383, %shift_left3A_385 : vector<16xi32>
        %add3A_387 = arith.addi %shift_left3A_386, %shift_right_logical3A_379 : vector<16xi32>
        %swap3A_388 = arith.constant 80 : index
        %swap3A_389 = tpu.vector_load %arg8[%swap3A_388] {strides = array<i32>} : memref<128xi32, #tpu.memory_space<vmem>>, vector<16xi32>,
        %swap3A_390 = vector.shape_cast %swap3A_389 : vector<16xi32> to vector<16xi32>
        %swap3A_391 = vector.shape_cast %add3A_387 : vector<16xi32> to vector<16xi32>
        tpu.vector_store %arg8[%swap3A_388], %swap3A_391 {strides = array<i32>} : memref<128xi32, #tpu.memory_space<vmem>>, vector<16xi32>,
        %get3A_392 = arith.constant 1 : i32
        %get3A_393 = arith.index_cast %get3A_392 : i32 to index
        %get3A_394 = arith.index_cast %add3A_247 : i32 to index
        %get3A_395 = arith.constant 96 : index
        %get3A_396 = tpu.vector_load %arg6[%get3A_393, %get3A_394, %get3A_395] {strides = array<i32>} : memref<2x40x128xi32, #tpu.memory_space<vmem>>, vector<1x1x16xi32>,
        %get3A_397 = vector.shape_cast %get3A_396 : vector<1x1x16xi32> to vector<16xi32>
        %mul3A_398 = arith.constant 3277 : i32
        %mul3A_399 = vector.broadcast %mul3A_398 : i32 to vector<16xi32>
        %mul3A_400 = arith.muli %get3A_397, %mul3A_399 : vector<16xi32>
        %shift_right_logical3A_401 = arith.constant 16 : i32
        %shift_right_logical3A_402 = vector.broadcast %shift_right_logical3A_401 : i32 to vector<16xi32>
        %shift_right_logical3A_403 = arith.shrui %mul3A_400, %shift_right_logical3A_402 : vector<16xi32>
        %mul3A_404 = arith.constant 20 : i32
        %mul3A_405 = vector.broadcast %mul3A_404 : i32 to vector<16xi32>
        %mul3A_406 = arith.muli %shift_right_logical3A_403, %mul3A_405 : vector<16xi32>
        %sub3A_407 = arith.subi %get3A_397, %mul3A_406 : vector<16xi32>
        %shift_left3A_408 = arith.constant 9 : i32
        %shift_left3A_409 = vector.broadcast %shift_left3A_408 : i32 to vector<16xi32>
        %shift_left3A_410 = arith.shli %sub3A_407, %shift_left3A_409 : vector<16xi32>
        %add3A_411 = arith.addi %shift_left3A_410, %shift_right_logical3A_403 : vector<16xi32>
        %swap3A_412 = arith.constant 96 : index
        %swap3A_413 = tpu.vector_load %arg8[%swap3A_412] {strides = array<i32>} : memref<128xi32, #tpu.memory_space<vmem>>, vector<16xi32>,
        %swap3A_414 = vector.shape_cast %swap3A_413 : vector<16xi32> to vector<16xi32>
        %swap3A_415 = vector.shape_cast %add3A_411 : vector<16xi32> to vector<16xi32>
        tpu.vector_store %arg8[%swap3A_412], %swap3A_415 {strides = array<i32>} : memref<128xi32, #tpu.memory_space<vmem>>, vector<16xi32>,
        %get3A_416 = arith.constant 1 : i32
        %get3A_417 = arith.index_cast %get3A_416 : i32 to index
        %get3A_418 = arith.index_cast %add3A_247 : i32 to index
        %get3A_419 = arith.constant 112 : index
        %get3A_420 = tpu.vector_load %arg6[%get3A_417, %get3A_418, %get3A_419] {strides = array<i32>} : memref<2x40x128xi32, #tpu.memory_space<vmem>>, vector<1x1x16xi32>,
        %get3A_421 = vector.shape_cast %get3A_420 : vector<1x1x16xi32> to vector<16xi32>
        %mul3A_422 = arith.constant 3277 : i32
        %mul3A_423 = vector.broadcast %mul3A_422 : i32 to vector<16xi32>
        %mul3A_424 = arith.muli %get3A_421, %mul3A_423 : vector<16xi32>
        %shift_right_logical3A_425 = arith.constant 16 : i32
        %shift_right_logical3A_426 = vector.broadcast %shift_right_logical3A_425 : i32 to vector<16xi32>
        %shift_right_logical3A_427 = arith.shrui %mul3A_424, %shift_right_logical3A_426 : vector<16xi32>
        %mul3A_428 = arith.constant 20 : i32
        %mul3A_429 = vector.broadcast %mul3A_428 : i32 to vector<16xi32>
        %mul3A_430 = arith.muli %shift_right_logical3A_427, %mul3A_429 : vector<16xi32>
        %sub3A_431 = arith.subi %get3A_421, %mul3A_430 : vector<16xi32>
        %shift_left3A_432 = arith.constant 9 : i32
        %shift_left3A_433 = vector.broadcast %shift_left3A_432 : i32 to vector<16xi32>
        %shift_left3A_434 = arith.shli %sub3A_431, %shift_left3A_433 : vector<16xi32>
        %add3A_435 = arith.addi %shift_left3A_434, %shift_right_logical3A_427 : vector<16xi32>
        %swap3A_436 = arith.constant 112 : index
        %swap3A_437 = tpu.vector_load %arg8[%swap3A_436] {strides = array<i32>} : memref<128xi32, #tpu.memory_space<vmem>>, vector<16xi32>,
        %swap3A_438 = vector.shape_cast %swap3A_437 : vector<16xi32> to vector<16xi32>
        %swap3A_439 = vector.shape_cast %add3A_435 : vector<16xi32> to vector<16xi32>
        tpu.vector_store %arg8[%swap3A_436], %swap3A_439 {strides = array<i32>} : memref<128xi32, #tpu.memory_space<vmem>>, vector<16xi32>,
        "tpu.region"() ({
          %run_scoped3A = tpu.sem_alloc : memref<!tpu.dma_semaphore, #tpu.memory_space<semaphore_mem>>
          %dma_start3A_440 = arith.constant 0 : i32
          %dma_start3A_441 = arith.constant 0 : i32
          %dma_start3A_442 = tpu.memref_slice %arg11[%dma_start3A_440, %dma_start3A_441] : memref<10240x128xf32, #tpu.memory_space<vmem_shared>> -> memref<10240x128xf32, #tpu.memory_space<vmem_shared>>
          tpu.enqueue_indirect_dma source(%arg10 : memref<128x128xf32, #tpu.memory_space<vmem>>) target(%dma_start3A_442 : memref<10240x128xf32, #tpu.memory_space<vmem_shared>>) offsets(%arg8 : memref<128xi32, #tpu.memory_space<vmem>>) semaphore(%run_scoped3A : memref<!tpu.dma_semaphore, #tpu.memory_space<semaphore_mem>>) {add = true}
          %dma_wait3A_443 = arith.constant 0 : i32
          %dma_wait3A_444 = arith.constant 0 : i32
          %dma_wait3A_445 = tpu.memref_slice %arg11[%dma_wait3A_443, %dma_wait3A_444] : memref<10240x128xf32, #tpu.memory_space<vmem_shared>> -> memref<10240x128xf32, #tpu.memory_space<vmem_shared>>
          tpu.wait_indirect_dma semaphore(%run_scoped3A : memref<!tpu.dma_semaphore, #tpu.memory_space<semaphore_mem>>) src(%arg10 : memref<128x128xf32, #tpu.memory_space<vmem>>) dst(%dma_wait3A_445 : memref<10240x128xf32, #tpu.memory_space<vmem_shared>>)
          tpu.yield
        }) : () -> ()
      }
      %scan3A_31 = arith.constant 20 : i32
    }
    %scan3A_9 = arith.constant 2 : i32
    %barrier3A_10 = arith.constant 0 : index
    tpu.barrier barrier_id(%barrier3A_10)
    %mul3A_11 = arith.constant 640 : i32
    %mul3A_12 = arith.muli %arg1, %mul3A_11 : i32
    %mul3A_13 = arith.constant 640 : i32
    %mul3A_14 = arith.muli %arg1, %mul3A_13 : i32
    "tpu.region"() ({
      %run_scoped3A = tpu.sem_alloc : memref<!tpu.dma_semaphore, #tpu.memory_space<semaphore_mem>>
      %dma_start3A = arith.constant 0 : i32
      %dma_start3A_15 = tpu.memref_slice %arg5[%arg0, %mul3A_14, %dma_start3A] : memref<2x10240x128xf32, #tpu.memory_space<hbm>> -> memref<1x640x128xf32, #tpu.memory_space<hbm>>
      %dma_start3A_16 = tpu.memref_squeeze %dma_start3A_15 : memref<1x640x128xf32, #tpu.memory_space<hbm>> -> memref<640x128xf32, #tpu.memory_space<hbm>>
      %dma_start3A_17 = arith.constant 0 : i32
      %dma_start3A_18 = tpu.memref_slice %arg11[%mul3A_12, %dma_start3A_17] : memref<10240x128xf32, #tpu.memory_space<vmem_shared>> -> memref<640x128xf32, #tpu.memory_space<vmem_shared>>
      tpu.enqueue_dma source(%dma_start3A_18 : memref<640x128xf32, #tpu.memory_space<vmem_shared>>) target(%dma_start3A_16 : memref<640x128xf32, #tpu.memory_space<hbm>>) target_semaphore(%run_scoped3A : memref<!tpu.dma_semaphore, #tpu.memory_space<semaphore_mem>>)
      %dma_wait3A = arith.constant 0 : i32
      %dma_wait3A_19 = tpu.memref_slice %arg5[%arg0, %mul3A_14, %dma_wait3A] : memref<2x10240x128xf32, #tpu.memory_space<hbm>> -> memref<1x640x128xf32, #tpu.memory_space<hbm>>
      %dma_wait3A_20 = tpu.memref_squeeze %dma_wait3A_19 : memref<1x640x128xf32, #tpu.memory_space<hbm>> -> memref<640x128xf32, #tpu.memory_space<hbm>>
      %dma_wait3A_21 = arith.constant 0 : i32
      %dma_wait3A_22 = tpu.memref_slice %arg11[%mul3A_12, %dma_wait3A_21] : memref<10240x128xf32, #tpu.memory_space<vmem_shared>> -> memref<640x128xf32, #tpu.memory_space<vmem_shared>>
      tpu.wait_dma2 semaphore(%run_scoped3A : memref<!tpu.dma_semaphore, #tpu.memory_space<semaphore_mem>>) src(%dma_wait3A_22 : memref<640x128xf32, #tpu.memory_space<vmem_shared>>) dst(%dma_wait3A_20 : memref<640x128xf32, #tpu.memory_space<hbm>>)
      tpu.yield
    }) : () -> ()
    return
  }
}

module attributes {stable_mosaic.version = 14 : i64} {
  func.func @_tc_body(%arg0: i32, %arg1: memref<1x500x128xf32, #tpu.memory_space<vmem>>, %arg2: memref<500x64xf32, #tpu.memory_space<vmem>>, %arg3: memref<2x1x512x128xf32, #tpu.memory_space<vmem>>, %arg4: memref<256x128xf32, #tpu.memory_space<vmem>>, %arg5: memref<1x128xf32, #tpu.memory_space<vmem>>, %arg6: memref<1x198x256xf32, #tpu.memory_space<vmem>>, %arg7: memref<1x1x256xf32, #tpu.memory_space<vmem>>, %arg8: memref<1x256x128xf32, #tpu.memory_space<vmem>>, %arg9: memref<1x1x128xf32, #tpu.memory_space<vmem>>, %arg10: memref<500x128xf32, #tpu.memory_space<vmem>>) attributes {dimension_semantics = [#tpu.dimension_semantics<arbitrary>], iteration_bounds = array<i64: 20>, scalar_prefetch = 0 : i64, scratch_operands = 0 : i64, tpu.core_type = #tpu.core_type<tc>, window_params = [{transform_indices = @transform_0, window_bounds = array<i64: 1, 500, 128>}, {pipeline_mode = #tpu.pipeline_mode<synchronous>, transform_indices = @transform_1, window_bounds = array<i64: 500, 64>}, {transform_indices = @transform_2, window_bounds = array<i64: 2, 1, 512, 128>}, {pipeline_mode = #tpu.pipeline_mode<synchronous>, transform_indices = @transform_3, window_bounds = array<i64: 256, 128>}, {pipeline_mode = #tpu.pipeline_mode<synchronous>, transform_indices = @transform_4, window_bounds = array<i64: 1, 128>}, {transform_indices = @transform_5, window_bounds = array<i64: 1, 198, 256>}, {transform_indices = @transform_6, window_bounds = array<i64: 1, 1, 256>}, {transform_indices = @transform_7, window_bounds = array<i64: 1, 256, 128>}, {transform_indices = @transform_8, window_bounds = array<i64: 1, 1, 128>}, {transform_indices = @transform_9, window_bounds = array<i64: 500, 128>}]} {
    %get3A = arith.constant 0 : index
    %get3A_0 = arith.constant 0 : index
    %get3A_1 = arith.constant 0 : index
    %get3A_2 = vector.load %arg1[%get3A, %get3A_0, %get3A_1] : memref<1x500x128xf32, #tpu.memory_space<vmem>>, vector<1x500x128xf32>
    %get3A_3 = vector.shape_cast %get3A_2 : vector<1x500x128xf32> to vector<500x128xf32>
    %get3A_4 = arith.constant 0 : index
    %get3A_5 = arith.constant 0 : index
    %get3A_6 = arith.constant 0 : index
    %get3A_7 = arith.constant 0 : index
    %get3A_8 = vector.load %arg3[%get3A_4, %get3A_5, %get3A_6, %get3A_7] : memref<2x1x512x128xf32, #tpu.memory_space<vmem>>, vector<1x1x500x128xf32>
    %get3A_9 = vector.shape_cast %get3A_8 : vector<1x1x500x128xf32> to vector<500x128xf32>
    %get3A_10 = arith.constant 1 : index
    %get3A_11 = arith.constant 0 : index
    %get3A_12 = arith.constant 0 : index
    %get3A_13 = arith.constant 0 : index
    %get3A_14 = vector.load %arg3[%get3A_10, %get3A_11, %get3A_12, %get3A_13] : memref<2x1x512x128xf32, #tpu.memory_space<vmem>>, vector<1x1x500x128xf32>
    %get3A_15 = vector.shape_cast %get3A_14 : vector<1x1x500x128xf32> to vector<500x128xf32>
    %add3A = arith.addf %get3A_9, %get3A_15 : vector<500x128xf32>
    %concatenate3A = tpu.concatenate %get3A_3, %add3A in 1 : vector<500x128xf32>, vector<500x128xf32> -> vector<500x256xf32>
    %get3A_16 = arith.constant 0 : index
    %get3A_17 = arith.constant 0 : index
    %get3A_18 = vector.load %arg4[%get3A_16, %get3A_17] : memref<256x128xf32, #tpu.memory_space<vmem>>, vector<256x128xf32>
    %dot_general3A = arith.constant dense<0.000000e+00> : vector<500x128xf32>
    %dot_general3A_19 = tpu.matmul %concatenate3A, %get3A_18, %dot_general3A {dimension_numbers = #tpu.dot_dimension_numbers<[1], [0], [0], [1], [0, 0, 1, 1], [], []>, transpose_lhs_hint = false} : vector<500x256xf32>, vector<256x128xf32>, vector<500x128xf32> -> vector<500x128xf32>
    %get3A_20 = arith.constant 0 : index
    %get3A_21 = arith.constant 0 : index
    %get3A_22 = vector.load %arg5[%get3A_20, %get3A_21] : memref<1x128xf32, #tpu.memory_space<vmem>>, vector<1x128xf32>
    %add3A_23 = vector.broadcast %get3A_22 : vector<1x128xf32> to vector<500x128xf32>
    %add3A_24 = arith.addf %dot_general3A_19, %add3A_23 : vector<500x128xf32>
    %max3A = arith.constant 0.000000e+00 : f32
    %max3A_25 = vector.broadcast %max3A : f32 to vector<500x128xf32>
    %max3A_26 = arith.maximumf %add3A_24, %max3A_25 : vector<500x128xf32>
    %get3A_27 = arith.constant 0 : index
    %get3A_28 = arith.constant 0 : index
    %get3A_29 = vector.load %arg2[%get3A_27, %get3A_28] : memref<500x64xf32, #tpu.memory_space<vmem>>, vector<500x64xf32>
    %slice3A = vector.extract_strided_slice %get3A_3 {offsets = [0, 13], sizes = [500, 6], strides = [1, 1]} : vector<500x128xf32> to vector<500x6xf32>
    %concatenate3A_30 = tpu.concatenate %max3A_26, %get3A_29, %slice3A in 1 : vector<500x128xf32>, vector<500x64xf32>, vector<500x6xf32> -> vector<500x198xf32>
    %get3A_31 = arith.constant 0 : index
    %get3A_32 = arith.constant 0 : index
    %get3A_33 = arith.constant 0 : index
    %get3A_34 = vector.load %arg6[%get3A_31, %get3A_32, %get3A_33] : memref<1x198x256xf32, #tpu.memory_space<vmem>>, vector<1x198x256xf32>
    %get3A_35 = vector.shape_cast %get3A_34 : vector<1x198x256xf32> to vector<198x256xf32>
    %dot_general3A_36 = arith.constant dense<0.000000e+00> : vector<500x256xf32>
    %dot_general3A_37 = tpu.matmul %concatenate3A_30, %get3A_35, %dot_general3A_36 {dimension_numbers = #tpu.dot_dimension_numbers<[1], [0], [0], [1], [0, 0, 1, 1], [], []>, transpose_lhs_hint = false} : vector<500x198xf32>, vector<198x256xf32>, vector<500x256xf32> -> vector<500x256xf32>
    %get3A_38 = arith.constant 0 : index
    %get3A_39 = arith.constant 0 : index
    %get3A_40 = arith.constant 0 : index
    %get3A_41 = vector.load %arg7[%get3A_38, %get3A_39, %get3A_40] : memref<1x1x256xf32, #tpu.memory_space<vmem>>, vector<1x1x256xf32>
    %get3A_42 = vector.shape_cast %get3A_41 : vector<1x1x256xf32> to vector<1x256xf32>
    %add3A_43 = vector.broadcast %get3A_42 : vector<1x256xf32> to vector<500x256xf32>
    %add3A_44 = arith.addf %dot_general3A_37, %add3A_43 : vector<500x256xf32>
    %max3A_45 = arith.constant 0.000000e+00 : f32
    %max3A_46 = vector.broadcast %max3A_45 : f32 to vector<500x256xf32>
    %max3A_47 = arith.maximumf %add3A_44, %max3A_46 : vector<500x256xf32>
    %get3A_48 = arith.constant 0 : index
    %get3A_49 = arith.constant 0 : index
    %get3A_50 = arith.constant 0 : index
    %get3A_51 = vector.load %arg8[%get3A_48, %get3A_49, %get3A_50] : memref<1x256x128xf32, #tpu.memory_space<vmem>>, vector<1x256x128xf32>
    %get3A_52 = vector.shape_cast %get3A_51 : vector<1x256x128xf32> to vector<256x128xf32>
    %dot_general3A_53 = arith.constant dense<0.000000e+00> : vector<500x128xf32>
    %dot_general3A_54 = tpu.matmul %max3A_47, %get3A_52, %dot_general3A_53 {dimension_numbers = #tpu.dot_dimension_numbers<[1], [0], [0], [1], [0, 0, 1, 1], [], []>, transpose_lhs_hint = false} : vector<500x256xf32>, vector<256x128xf32>, vector<500x128xf32> -> vector<500x128xf32>
    %get3A_55 = arith.constant 0 : index
    %get3A_56 = arith.constant 0 : index
    %get3A_57 = arith.constant 0 : index
    %get3A_58 = vector.load %arg9[%get3A_55, %get3A_56, %get3A_57] : memref<1x1x128xf32, #tpu.memory_space<vmem>>, vector<1x1x128xf32>
    %get3A_59 = vector.shape_cast %get3A_58 : vector<1x1x128xf32> to vector<1x128xf32>
    %add3A_60 = vector.broadcast %get3A_59 : vector<1x128xf32> to vector<500x128xf32>
    %add3A_61 = arith.addf %dot_general3A_54, %add3A_60 : vector<500x128xf32>
    %swap3A = arith.constant 0 : index
    %swap3A_62 = arith.constant 0 : index
    %swap3A_63 = vector.load %arg10[%swap3A, %swap3A_62] : memref<500x128xf32, #tpu.memory_space<vmem>>, vector<500x128xf32>
    tpu.vector_store %arg10[%swap3A, %swap3A_62], %add3A_61 {strides = array<i32>} : memref<500x128xf32, #tpu.memory_space<vmem>>, vector<500x128xf32>,
    return
  }
  func.func @transform_0(%arg0: i32) -> (i32, i32, i32) {
    %c0_i32 = arith.constant 0 : i32
    %c0_i32_0 = arith.constant 0 : i32
    %c0_i32_1 = arith.constant 0 : i32
    return %arg0, %c0_i32, %c0_i32_0 : i32, i32, i32
  }
  func.func @transform_1(%arg0: i32) -> (i32, i32) {
    %c0_i32 = arith.constant 0 : i32
    %c0_i32_0 = arith.constant 0 : i32
    %c0_i32_1 = arith.constant 0 : i32
    return %c0_i32, %c0_i32_0 : i32, i32
  }
  func.func @transform_2(%arg0: i32) -> (i32, i32, i32, i32) {
    %c0_i32 = arith.constant 0 : i32
    %c0_i32_0 = arith.constant 0 : i32
    %c0_i32_1 = arith.constant 0 : i32
    %c0_i32_2 = arith.constant 0 : i32
    return %c0_i32, %arg0, %c0_i32_0, %c0_i32_1 : i32, i32, i32, i32
  }
  func.func @transform_3(%arg0: i32) -> (i32, i32) {
    %c0_i32 = arith.constant 0 : i32
    %c0_i32_0 = arith.constant 0 : i32
    %c0_i32_1 = arith.constant 0 : i32
    return %c0_i32, %c0_i32_0 : i32, i32
  }
  func.func @transform_4(%arg0: i32) -> (i32, i32) {
    %c0_i32 = arith.constant 0 : i32
    %c0_i32_0 = arith.constant 0 : i32
    %c0_i32_1 = arith.constant 0 : i32
    return %c0_i32, %c0_i32_0 : i32, i32
  }
  func.func @transform_5(%arg0: i32) -> (i32, i32, i32) {
    %min3A = arith.constant 4 : i32
    %min3A_0 = arith.minsi %arg0, %min3A : i32
    %c0_i32 = arith.constant 0 : i32
    %c0_i32_1 = arith.constant 0 : i32
    %c0_i32_2 = arith.constant 0 : i32
    return %min3A_0, %c0_i32, %c0_i32_1 : i32, i32, i32
  }
  func.func @transform_6(%arg0: i32) -> (i32, i32, i32) {
    %min3A = arith.constant 4 : i32
    %min3A_0 = arith.minsi %arg0, %min3A : i32
    %c0_i32 = arith.constant 0 : i32
    %c0_i32_1 = arith.constant 0 : i32
    %c0_i32_2 = arith.constant 0 : i32
    return %min3A_0, %c0_i32, %c0_i32_1 : i32, i32, i32
  }
  func.func @transform_7(%arg0: i32) -> (i32, i32, i32) {
    %min3A = arith.constant 4 : i32
    %min3A_0 = arith.minsi %arg0, %min3A : i32
    %c0_i32 = arith.constant 0 : i32
    %c0_i32_1 = arith.constant 0 : i32
    %c0_i32_2 = arith.constant 0 : i32
    return %min3A_0, %c0_i32, %c0_i32_1 : i32, i32, i32
  }
  func.func @transform_8(%arg0: i32) -> (i32, i32, i32) {
    %min3A = arith.constant 4 : i32
    %min3A_0 = arith.minsi %arg0, %min3A : i32
    %c0_i32 = arith.constant 0 : i32
    %c0_i32_1 = arith.constant 0 : i32
    %c0_i32_2 = arith.constant 0 : i32
    return %min3A_0, %c0_i32, %c0_i32_1 : i32, i32, i32
  }
  func.func @transform_9(%arg0: i32) -> (i32, i32) {
    %c0_i32 = arith.constant 0 : i32
    %c0_i32_0 = arith.constant 0 : i32
    return %c0_i32, %arg0 : i32, i32
  }
}

</mosaic_0001>

<sc_bundles>
// kernel: kernel.4.cloned.1.call-start
scs
__scs_entry_jumppad:
0x0: {  	(pc) =	sbr.rel $0x88, $3  }
0x1: {  	(tag) =	ssettag $0x0;
	lr =	simm.s32 $0x1  }
0x2: {  	[smem:$0x3F93] =	sst lr;
	_ =	strace $0xD0000000  }
0x3: {  	_ = 	snop  }
0x4: {  	_ = 	snop  }
0x5: {  	_ = 	snop  }
0x6: {  	_ = 	snop  }
0x7: {  	_ = 	snop  }
__scs_overlays_trampoline_lowered:
0x8: {  	[smem:$0x3FA2] =	sst s0  }
0x9: {  	[smem:$0x3FA3] =	sst s1  }
0xa: {  	[smem:$0x3FA4] =	sst s2  }
0xb: {  	[smem:$0x3FA5] =	sst s3  }
0xc: {  	[smem:$0x3FA6] =	sst s4  }
0xd: {  	[smem:$0x3FA7] =	sst s5  }
0xe: {  	[smem:$0x3FA8] =	sst s6  }
0xf: {  	[smem:$0x3FA9] =	sst s7  }
0x10: {  	[smem:$0x3FAA] =	sst s8  }
0x11: {  	[smem:$0x3FAB] =	sst s9;
	s0 =	simm.s32 @!p0 $0x0  }
0x12: {  	s1 =	sld [smem:$0x3F91];
	s0 =	simm.s32 @p0 $0x1  }
0x13: {  	[smem:$0x3FAC] =	sst s0;
	s0 =	simm.s32 @!p1 $0x0  }
0x14: {  	s2 =	sld [smem:$0x3F90];
	s0 =	simm.s32 @p1 $0x1  }
0x15: {  	[smem:$0x3FAD] =	sst s0;
	s0 =	simm.s32 @!p2 $0x0  }
0x16: {  	s3 =	sld [smem:$0x3FDB];
	s0 =	simm.s32 @p2 $0x1  }
0x17: {  	s4 =	simm.s32 $0x1BF5;
	[smem:$0x3FAF] =	sst s0  }
0x18: {  	s0 =	sld [smem:$0x3F92];
	_ =	swait.ge [sflag:s4], $0x0  }
0x19: {  	s7 =	sld [smem:$0x3F93]  }
0x1a: {  	s8 =	sadd.s32 $0xFFFFE003, lr  }
0x1b: {  	s9 =	sadd.s32 $0xFFFFFEF7, lr;
	s5 =	simm.s32 $0xFFFFFFFF;
	p2 =	slt.u32 s8, $0xFFFFF086  }
0x1c: {  	p1 =	slt.u32 s9, $0xF7A;
	s5 =	simm.s32 @!p2 $0x0  }
0x1d: {  	s5 =	simm.s32 @p1 $0x1;
	p0 =	seq.s32 s7, s2  }
0x1e: {  	s7 =	smul.u32 @!p0 $0xF7A, s2;
	p2 =	seq.s32 @!p0 s5, $0x0  }
0x1f: {  	s9 =	smul.u32 $0xF7A, s1;
	s8 =	simm.s32 @!p0 $0x1BF5;
	p2 =	por !p2, p0  }
0x20: {  	[sflag:s8] =	ssyncset.s32 @!p0 $0xFFFFF086;
	s6 =	sadd.s32 @!p0 s3, s7;
	s7 =	simm.s32 @!p0 $0x108  }
0x21: {  	s3 =	sadd.s32 s3, s9;
	s6 =	sadd.s32 @!p0 $0x88, s6;
	s7 =	simm.s32 @p2 $0x1082  }
0x22: {  	[simem:s7], [sflag:s8] =	dma.local @!p0 [hbm:s6], $0xF7A  }
0x23: {  	s9 =	sor.u32 $0xD0000000, s2;
	s6 =	simm.s32 $0x108;
	_ =	swait.ge @!p0 [sflag:s8], $0x0  }
0x24: {  	s3 =	sadd.s32 $0x88, s3;
	s6 =	simm.s32 @!p1 $0x1082;
	[sflag:s4] =	ssyncset.s32 $0xFFFFF086  }
0x25: {  	[simem:s6], [sflag:s4] =	dma.local [hbm:s3], $0xF7A  }
0x26: {  	[smem:$0x3F93] =	sst s1;
	(tag) =	ssettag s2;
	_ =	strace s9  }
0x27: {  	s1 =	sld [smem:$0x3FA3]  }
0x28: {  	s2 =	sld [smem:$0x3FA4]  }
0x29: {  	s4 =	sld [smem:$0x3FA6]  }
0x2a: {  	p0 =	seq.s32 s5, $0x0;
	s5 =	sld [smem:$0x3FA7]  }
0x2b: {  	s6 =	sld [smem:$0x3FA8]  }
0x2c: {  	s7 =	sld [smem:$0x3FA9]  }
0x2d: {  	s3 =	simm.s32 $0x108;
	s8 =	sld [smem:$0x3FAA]  }
0x2e: {  	s3 =	simm.s32 @!p0 $0x1082;
	s9 =	sld [smem:$0x3FAB]  }
0x2f: {  	lr =	sadd.s32 s0, s3;
	s0 =	sld [smem:$0x3FA2]  }
0x30: {  	s3 =	sld [smem:$0x3FA5]  }
0x31: {  	[smem:$0x3FAE] =	sst s10  }
0x32: {  	s10 =	sld [smem:$0x3FAC];
	_ =	sdelay $0x3  }
0x33: {  	p0 =	seq.s32 s10, $0x1;
	s10 =	sld [smem:$0x3FAE];
	_ =	sdelay $0x3  }
0x34: {  	[smem:$0x3FAE] =	sst s10  }
0x35: {  	s10 =	sld [smem:$0x3FAD];
	_ =	sdelay $0x3  }
0x36: {  	p1 =	seq.s32 s10, $0x1;
	s10 =	sld [smem:$0x3FAE];
	_ =	sdelay $0x3  }
0x37: {  	[smem:$0x3FAE] =	sst s10  }
0x38: {  	s10 =	sld [smem:$0x3FAF]  }
0x39: {  	_ = 	snop;
	(pc) =	sbr.ind lr, $3  }
0x3a: {  	_ = 	snop  }
0x3b: {  	_ = 	snop  }
0x3c: {  	p2 =	seq.s32 s10, $0x1;
	s10 =	sld [smem:$0x3FAE]  }
0x3d: {  	_ =	shalt  }
0x3e: {  	_ =	shalt  }
0x3f: {  	_ =	shalt  }
0x40: {  	_ =	shalt  }
0x41: {  	_ =	shalt  }
0x42: {  	_ =	shalt  }
0x43: {  	_ =	shalt  }
0x44: {  	_ =	shalt  }
0x45: {  	_ =	shalt  }
0x46: {  	_ =	shalt  }
0x47: {  	_ =	shalt  }
0x48: {  	_ =	shalt  }
0x49: {  	_ =	shalt  }
0x4a: {  	_ =	shalt  }
0x4b: {  	_ =	shalt  }
0x4c: {  	_ =	shalt  }
0x4d: {  	_ =	shalt  }
0x4e: {  	_ =	shalt  }
0x4f: {  	_ =	shalt  }
0x50: {  	_ =	shalt  }
0x51: {  	_ =	shalt  }
0x52: {  	_ =	shalt  }
0x53: {  	_ =	shalt  }
0x54: {  	_ =	shalt  }
0x55: {  	_ =	shalt  }
0x56: {  	_ =	shalt  }
0x57: {  	_ =	shalt  }
0x58: {  	_ =	shalt  }
0x59: {  	_ =	shalt  }
0x5a: {  	_ =	shalt  }
0x5b: {  	_ =	shalt  }
0x5c: {  	_ =	shalt  }
0x5d: {  	_ =	shalt  }
0x5e: {  	_ =	shalt  }
0x5f: {  	_ =	shalt  }
0x60: {  	_ =	shalt  }
0x61: {  	_ =	shalt  }
0x62: {  	_ =	shalt  }
0x63: {  	_ =	shalt  }
0x64: {  	_ =	shalt  }
0x65: {  	_ =	shalt  }
0x66: {  	_ =	shalt  }
0x67: {  	_ =	shalt  }
0x68: {  	_ =	shalt  }
0x69: {  	_ =	shalt  }
0x6a: {  	_ =	shalt  }
0x6b: {  	_ =	shalt  }
0x6c: {  	_ =	shalt  }
0x6d: {  	_ =	shalt  }
0x6e: {  	_ =	shalt  }
0x6f: {  	_ =	shalt  }
0x70: {  	_ =	shalt  }
0x71: {  	_ =	shalt  }
0x72: {  	_ =	shalt  }
0x73: {  	_ =	shalt  }
0x74: {  	_ =	shalt  }
0x75: {  	_ =	shalt  }
0x76: {  	_ =	shalt  }
0x77: {  	_ =	shalt  }
0x78: {  	_ =	shalt  }
0x79: {  	_ =	shalt  }
0x7a: {  	_ =	shalt  }
0x7b: {  	_ =	shalt  }
0x7c: {  	_ =	shalt  }
0x7d: {  	_ =	shalt  }
0x7e: {  	_ =	shalt  }
0x7f: {  	_ =	shalt  }
0x80: {  	_ =	shalt  }
0x81: {  	_ =	shalt  }
0x82: {  	_ =	shalt  }
0x83: {  	_ =	shalt  }
0x84: {  	_ =	shalt  }
0x85: {  	_ =	shalt  }
0x86: {  	_ =	shalt  }
0x87: {  	_ =	shalt  }
.Lfunc_end0:
.L_simem_size_0:
called_computation_lowered:
.L_overlay_start_0:
0x88: {  	s2 =	sld [smem:$0x3FD9]  }
0x89: {  	s3 =	sld [smem:$0x3FFE];
	_ =	sdelay $0x1  }
0x8a: {  	s1 =	srdreg.scid  }
0x8b: {  	s0 =	sand.u32 $0x1, s1  }
0x8c: {  	s17 =	sshll.u32 s0, $0xA;
	s2 =	sadd.s32 s3, s2  }
0x8d: {  	s2 =	sadd.s32 s2, s17  }
0x8e: {  	[smem:$0x3FBA] =	sst s2  }
0x8f: {  	_ = 	snop  }
0x90: {  	s2 =	sld [smem:$0x3FD0];
	(tm) =	ssettm $0x1  }
0x91: {  	s18 =	sld [smem:$0x3FFB];
	_ =	sdelay $0x3  }
0x92: {  	_ =	strace s18  }
0x93: {  	s3 =	sld [smem:$0x3FFC];
	_ =	sdelay $0x3  }
0x94: {  	_ =	strace s3  }
0x95: {  	s3 =	sld [smem:$0x3FFD];
	_ =	sdelay $0x3  }
0x96: {  	_ =	strace s3  }
0x97: {  	_ =	strace $0x8FFFFFFF  }
0x98: {  	s19 =	sld [smem:$0x3FDB];
	_ =	sdelay $0x1  }
0x99: {  	s4 =	simm.s32 $_scs_section_size  }
0x9a: {  	s5 =	simm.s32 $_size__tile_overlayer_lowered;
	s6 =	simm.s32 $_tile_overlayer_lowered  }
0x9b: {  	s22 =	simm.s32 $0x1BFF;
	s21 =	sshll.u32 s6, $0x1;
	s3 =	sadd.s32 s4, s19  }
0x9c: {  	s7 =	simm.s32 $0x0;
	s20 =	sshll.u32 s5, $0x1;
	s5 =	sadd.s32 s21, s3  }
0x9d: {  	[timem:s7], [sflag:s22] =	dma.local [hbm:s5], s20  }
0x9e: {  	_ =	swait.ge [sflag:s22], s20  }
0x9f: {  	s4 =	ssub.s32 $0x0, s20;
	[sflag:s22] =	ssyncset.done $0x0  }
0xa0: {  	[sflag:s22] =	ssyncadd.s32 s4;
	_ =	sdelay $0x1  }
0xa1: {  	s23 =	simm.s32 $0x1B8B  }
0xa2: {  	_ =	swait.ge [sflag:s23], $0x1  }
0xa3: {  	[sflag:s23] =	ssyncset.done $0x0  }
0xa4: {  	s25 =	simm.s32 $0x1B8E;
	s24 =	sld [smem:$0x3FFE];
	[sflag:s23] =	ssyncadd.s32 $0xFFFFFFFF  }
0xa5: {  	s26 =	simm.s32 $execute0_lowered;
	[smem:$0x3FD2] =	sst s25  }
0xa6: {  	s5 =	sshll.u32 s26, $0x1;
	_ =	strace $0x80000046;
	[dreg:$0x1] =	wrdreg $0xFFFFFFFF  }
0xa7: {  	s28 =	simm.s32 $_size_execute0_lowered;
	s3 =	sadd.s32 s3, s5;
	[dreg:$0x0] =	wrdreg $0x0  }
0xa8: {  	s5 =	sshll.u32 s28, $0x1;
	[dreg:$0x2] =	wrdreg s3  }
0xa9: {  	[dreg:$0x3] =	wrdreg s5  }
0xaa: {  	[dreg:$0x4] =	wrdreg $0xC0  }
0xab: {  	_ =	task [dreg:s7], $0x5FFFF  }
0xac: {  	[dreg:$0x1] =	wrdreg $0xFFFFFFFF  }
0xad: {  	[dreg:$0x0] =	wrdreg $0x60  }
0xae: {  	[dreg:$0x2] =	wrdreg s2  }
0xaf: {  	[dreg:$0x3] =	wrdreg s24  }
0xb0: {  	[dreg:$0x4] =	wrdreg $0xA9000  }
0xb1: {  	[dreg:$0x5] =	wrdreg $0x9  }
0xb2: {  	_ =	task.clear_ibuf [dreg:s7], $0x6FFFF;
	_ =	strace $0x90000046  }
0xb3: {  	s29 =	simm.s32 $0x9;
	_ =	strace $0x80000048  }
0xb4: {  	_ =	swait.ge [sflag:s29], $0x1  }
0xb5: {  	[sflag:s29] =	ssyncadd.s32 $0xFFFFFFFF  }
0xb6: {  	_ =	strace $0x90000048  }
0xb7: {  	_ =	sfence  }
0xb8: {  	s30 =	sld [smem:$0x0];
	_ =	sdelay $0x2  }
0xb9: {  	s31 =	sshll.u32 s1, $0xD;
	s1 =	sshrl.u32 s1, $0x2  }
0xba: {  	s3 =	sand.u32 $0x4000, s31;
	s1 =	sadd.s32 s1, s30  }
0xbb: {  	s0 =	sor.u32 s3, s0;
	s1 =	sshll.u32 s1, $0x11  }
0xbc: {  	s0 =	sor.u32 s1, s0  }
0xbd: {  	s0 =	sadd.s32 $0x8F2B, s0  }
0xbe: {  	[sflag:s0] =	ssyncadd.remote.s32 $0x1  }
0xbf: {  	_ =	sfence.sel $0xFFFF  }
0xc0: {  	[dreg:$0x0] =	wrdreg $0xFFFFFFFF;
	(pc) =	sbr.abs _section_cstart, $3  }
0xc1: {  	[dreg:$0x1] =	wrdreg $0xFFFFFFFF  }
0xc2: {  	_ =	task.clear_ibuf [dreg:s7], $0x2FFFF;
	_ =	strace $0x9FFFFFFF  }
0xc3: {  	(tm) =	ssettm $0x7FFFFFFF  }
tec
execute0_lowered:
.L_overlay_start_1:
0x0: {  	(tag) =	ssettag $0x1  }
0x1: {  	s0 =	rddreg [dreg:$0x0]  }
0x2: {  	s7 =	rddreg [dreg:$0x1];
	s1 =	srdreg.scid  }
0x3: {  	s3 =	rddreg [dreg:$0x2];
	s2 =	stileid.u32  }
0x4: {  	s4 =	simm.s32 $0x0;
	s12 =	simm.s32 $0x3;
	s13 =	simm.s32 $0x1400  }
0x5: {  	s14 =	simm.s32 $0x50000;
	s15 =	simm.s32 $0x80;
	s16 =	simm.s32 $0x2900  }
0x6: {  	s17 =	simm.s32 $0x6900;
	s18 =	simm.s32 $0x1;
	s19 =	simm.s32 $0x2800  }
0x7: {  	s20 =	simm.s32 $0x2;
	s8 =	sand.u32 $0x1, s1;
	s1 =	rddreg [dreg:$0x3]  }
0x8: {  	s21 =	simm.s32 $0x2880;
	s9 =	smul.u32 $0x14000, s2;
	[smem:$0x7FF] =	sst s4  }
0x9: {  	s5 =	sadd.s32 $0x2C00, s7;
	s11 =	smul.u32 $0x50000, s2;
	s30 =	sshll.u32 s2, $0x1  }
0xa: {  	s31 =	sshll.u32 s2, $0x6;
	s6 =	smul.u32 $0x140000, s8;
	s10 =	ssub.s32 $0x2, s8  }
0xb: {  	_ =	strace $0x80000047;
	s8 =	sor.u32 s8, s30;
	s29 =	sshrl.u32 s10, $0x1  }
0xc: {  	s11 =	sshrl.u32 s11, $0x2;
	s8 =	smul.u32 $0x50, s8;
	s6 =	sadd.s32 s9, s6  }
0xd: {  	s10 =	ssub.s32 s10, s29;
	s11 =	sadd.s32 s11, s3;
	s9 =	sshrl.u32 s6, $0x3  }
0xe: {  	s6 =	sadd.s32 $0x16C00, s7;
	s10 =	smax.u32 s10, $0x1;
	s9 =	sadd.s32 s9, s7  }
0xf: {  	s11 =	sshrl.u32 s11, $0x3;
	s7 =	sor.u32 $0x1C03, s31;
	s9 =	sadd.s32 $0x19400, s9  }
.LBB2_1:
0x10: {  	[spmem:s11], [sflag:s7] =	dma.local [hbm:s6], $0x2800  }
0x11: {  	_ =	swait.ge [sflag:s12], $0x2800  }
0x12: {  	[sflag:s12] =	ssyncset.done $0x0  }
0x13: {  	[sflag:s12] =	ssyncadd.s32 $0xFFFFD800  }
0x14: {  	p1 =	por $0x1, $0x1;
	s22 =	simm.s32 $0x0;
	[bflag:$0x0] =	sbarrier.arrive $0xFFFF  }
.LBB2_2:
0x15: {  	s22 =	sadd.s32 s8, s22  }
0x16: {  	s22 =	sshll.u32 s22, $0x4  }
0x17: {  	s23 =	simm.s32 $0x0;
	s22 =	sadd.s32 s5, s22  }
0x18: {  	[tilespmem:s23], [sflag:$0x3] =	stream.strided.gather [hbm4b:s22+s13], $0x2800, s14, s13, $0x38;
	[tilespmem:$0x1E900] =	vst v63  }
0x19: {  	_ =	swait.ge [sflag:s12], $0x2800  }
0x1a: {  	[sflag:s12] =	ssyncset.done $0x0  }
0x1b: {  	[sflag:s12] =	ssyncadd.s32 $0xFFFFD800  }
0x1c: {  	[tilespmem:s16], [sflag:$0x1] =	stream.indirect.gather [hbm4b:s0+s15], $0x80, s23, s15, $0xb8;
	[tilespmem:$0x1E900] =	vst v63  }
0x1d: {  	s30 =	simm.s32 $0x80  }
0x1e: {  	[tilespmem:s17], [sflag:$0x2] =	stream.indirect.gather [hbm4b:s0+s15], $0x80, s30, s15, $0xb8;
	[tilespmem:$0x1E900] =	vst v63  }
0x1f: {  	_ =	swait.ge [sflag:s18], $0x4000  }
0x20: {  	[sflag:s18] =	ssyncset.done $0x0  }
0x21: {  	s31 =	simm.s32 $0x0;
	[sflag:s18] =	ssyncadd.s32 $0xFFFFC000  }
0x22: {  	v0 =	vld [tilespmem:s31+$0x1400];
	_ =	sdelay $0x4  }
0x23: {  	v1 =	vmul.u32 $0xCCD, v0;
	_ =	sdelay $0x1  }
0x24: {  	v1 =	vshrl.u32 v1, $0x10  }
0x25: {  	v2 =	vmul.u32 $0x7FFFEC, v1;
	_ =	sdelay $0x1  }
0x26: {  	v0 =	vadd.s32 v0, v2  }
0x27: {  	v0 =	vshll.u32 v0, $0x9  }
0x28: {  	v0 =	vadd.s32 v1, v0  }
0x29: {  	[tilespmem:$0x2800] =	vst v0  }
0x2a: {  	v0 =	vld [tilespmem:s31+$0x1410];
	_ =	sdelay $0x4  }
0x2b: {  	v33 =	vmul.u32 $0xCCD, v0;
	_ =	sdelay $0x1  }
0x2c: {  	v1 =	vshrl.u32 v33, $0x10  }
0x2d: {  	v34 =	vmul.u32 $0x7FFFEC, v1;
	_ =	sdelay $0x1  }
0x2e: {  	v0 =	vadd.s32 v0, v34  }
0x2f: {  	v0 =	vshll.u32 v0, $0x9  }
0x30: {  	v0 =	vadd.s32 v1, v0  }
0x31: {  	[tilespmem:$0x2810] =	vst v0  }
0x32: {  	v0 =	vld [tilespmem:s31+$0x1420];
	_ =	sdelay $0x4  }
0x33: {  	v35 =	vmul.u32 $0xCCD, v0;
	_ =	sdelay $0x1  }
0x34: {  	v1 =	vshrl.u32 v35, $0x10  }
0x35: {  	v36 =	vmul.u32 $0x7FFFEC, v1;
	_ =	sdelay $0x1  }
0x36: {  	v0 =	vadd.s32 v0, v36  }
0x37: {  	v0 =	vshll.u32 v0, $0x9  }
0x38: {  	v0 =	vadd.s32 v1, v0  }
0x39: {  	[tilespmem:$0x2820] =	vst v0  }
0x3a: {  	v0 =	vld [tilespmem:s31+$0x1430];
	_ =	sdelay $0x4  }
0x3b: {  	v37 =	vmul.u32 $0xCCD, v0;
	_ =	sdelay $0x1  }
0x3c: {  	v1 =	vshrl.u32 v37, $0x10  }
0x3d: {  	v38 =	vmul.u32 $0x7FFFEC, v1;
	_ =	sdelay $0x1  }
0x3e: {  	v0 =	vadd.s32 v0, v38  }
0x3f: {  	v0 =	vshll.u32 v0, $0x9  }
0x40: {  	v0 =	vadd.s32 v1, v0  }
0x41: {  	[tilespmem:$0x2830] =	vst v0  }
0x42: {  	v0 =	vld [tilespmem:s31+$0x1440];
	_ =	sdelay $0x4  }
0x43: {  	v39 =	vmul.u32 $0xCCD, v0;
	_ =	sdelay $0x1  }
0x44: {  	v1 =	vshrl.u32 v39, $0x10  }
0x45: {  	v40 =	vmul.u32 $0x7FFFEC, v1;
	_ =	sdelay $0x1  }
0x46: {  	v0 =	vadd.s32 v0, v40  }
0x47: {  	v0 =	vshll.u32 v0, $0x9  }
0x48: {  	v0 =	vadd.s32 v1, v0  }
0x49: {  	[tilespmem:$0x2840] =	vst v0  }
0x4a: {  	v0 =	vld [tilespmem:s31+$0x1450];
	_ =	sdelay $0x4  }
0x4b: {  	v41 =	vmul.u32 $0xCCD, v0;
	_ =	sdelay $0x1  }
0x4c: {  	v1 =	vshrl.u32 v41, $0x10  }
0x4d: {  	v42 =	vmul.u32 $0x7FFFEC, v1;
	_ =	sdelay $0x1  }
0x4e: {  	v0 =	vadd.s32 v0, v42  }
0x4f: {  	v0 =	vshll.u32 v0, $0x9  }
0x50: {  	v0 =	vadd.s32 v1, v0  }
0x51: {  	[tilespmem:$0x2850] =	vst v0  }
0x52: {  	v0 =	vld [tilespmem:s31+$0x1460];
	_ =	sdelay $0x4  }
0x53: {  	v43 =	vmul.u32 $0xCCD, v0;
	_ =	sdelay $0x1  }
0x54: {  	v1 =	vshrl.u32 v43, $0x10  }
0x55: {  	v44 =	vmul.u32 $0x7FFFEC, v1;
	_ =	sdelay $0x1  }
0x56: {  	v0 =	vadd.s32 v0, v44  }
0x57: {  	v0 =	vshll.u32 v0, $0x9  }
0x58: {  	v0 =	vadd.s32 v1, v0  }
0x59: {  	[tilespmem:$0x2860] =	vst v0  }
0x5a: {  	v0 =	vld [tilespmem:s31+$0x1470];
	_ =	sdelay $0x4  }
0x5b: {  	v45 =	vmul.u32 $0xCCD, v0;
	_ =	sdelay $0x1  }
0x5c: {  	v1 =	vshrl.u32 v45, $0x10  }
0x5d: {  	v46 =	vmul.u32 $0x7FFFEC, v1;
	_ =	sdelay $0x1  }
0x5e: {  	v0 =	vadd.s32 v0, v46  }
0x5f: {  	v0 =	vshll.u32 v0, $0x9  }
0x60: {  	v0 =	vadd.s32 v1, v0  }
0x61: {  	[tilespmem:$0x2870] =	vst v0  }
0x62: {  	[spmem:s3] =	stream.indirect.scatter.add.f32 [tilespmem:s16], [sflag:$0x3], $0x80, s19, s15, $0xb8;
	[tilespmem:$0x1E900] =	vst v63  }
0x63: {  	p0 =	por $0x0, $0x0;
	_ =	swait.ge [sflag:s12], $0x4000  }
0x64: {  	s24 =	simm.s32 @!p0 $0x100;
	[sflag:s12] =	ssyncset.done $0x0  }
0x65: {  	s25 =	simm.s32 @!p0 $0x80;
	s23 =	simm.s32 @!p0 $0x2900;
	[sflag:s12] =	ssyncadd.s32 $0xFFFFC000  }
0x66: {  	[tilespmem:s23], [sflag:$0x1] =	stream.indirect.gather @!p0 [hbm4b:s0+s25], $0x80, s24, s25, $0xb8;
	[tilespmem:$0x1E900] =	vst v63  }
0x67: {  	_ =	swait.ge [sflag:s20], $0x4000  }
0x68: {  	[sflag:s20] =	ssyncset.done $0x0  }
0x69: {  	[sflag:s20] =	ssyncadd.s32 $0xFFFFC000  }
0x6a: {  	v47 =	vld [tilespmem:s31+$0x1480];
	_ =	sdelay $0x4  }
0x6b: {  	v48 =	vmul.u32 $0xCCD, v47;
	_ =	sdelay $0x1  }
0x6c: {  	v1 =	vshrl.u32 v48, $0x10  }
0x6d: {  	v49 =	vmul.u32 $0x7FFFEC, v1;
	_ =	sdelay $0x1  }
0x6e: {  	v0 =	vadd.s32 v47, v49  }
0x6f: {  	v0 =	vshll.u32 v0, $0x9  }
0x70: {  	v0 =	vadd.s32 v1, v0  }
0x71: {  	[tilespmem:$0x2880] =	vst v0  }
0x72: {  	v0 =	vld [tilespmem:s31+$0x1490];
	_ =	sdelay $0x4  }
0x73: {  	v50 =	vmul.u32 $0xCCD, v0;
	_ =	sdelay $0x1  }
0x74: {  	v1 =	vshrl.u32 v50, $0x10  }
0x75: {  	v51 =	vmul.u32 $0x7FFFEC, v1;
	_ =	sdelay $0x1  }
0x76: {  	v0 =	vadd.s32 v0, v51  }
0x77: {  	v0 =	vshll.u32 v0, $0x9  }
0x78: {  	v0 =	vadd.s32 v1, v0  }
0x79: {  	[tilespmem:$0x2890] =	vst v0  }
0x7a: {  	v0 =	vld [tilespmem:s31+$0x14A0];
	_ =	sdelay $0x4  }
0x7b: {  	v52 =	vmul.u32 $0xCCD, v0;
	_ =	sdelay $0x1  }
0x7c: {  	v1 =	vshrl.u32 v52, $0x10  }
0x7d: {  	v53 =	vmul.u32 $0x7FFFEC, v1;
	_ =	sdelay $0x1  }
0x7e: {  	v0 =	vadd.s32 v0, v53  }
0x7f: {  	v0 =	vshll.u32 v0, $0x9  }
0x80: {  	v0 =	vadd.s32 v1, v0  }
0x81: {  	[tilespmem:$0x28A0] =	vst v0  }
0x82: {  	v0 =	vld [tilespmem:s31+$0x14B0];
	_ =	sdelay $0x4  }
0x83: {  	v54 =	vmul.u32 $0xCCD, v0;
	_ =	sdelay $0x1  }
0x84: {  	v1 =	vshrl.u32 v54, $0x10  }
0x85: {  	v55 =	vmul.u32 $0x7FFFEC, v1;
	_ =	sdelay $0x1  }
0x86: {  	v0 =	vadd.s32 v0, v55  }
0x87: {  	v0 =	vshll.u32 v0, $0x9  }
0x88: {  	v0 =	vadd.s32 v1, v0  }
0x89: {  	[tilespmem:$0x28B0] =	vst v0  }
0x8a: {  	v0 =	vld [tilespmem:s31+$0x14C0];
	_ =	sdelay $0x4  }
0x8b: {  	v56 =	vmul.u32 $0xCCD, v0;
	_ =	sdelay $0x1  }
0x8c: {  	v1 =	vshrl.u32 v56, $0x10  }
0x8d: {  	v57 =	vmul.u32 $0x7FFFEC, v1;
	_ =	sdelay $0x1  }
0x8e: {  	v0 =	vadd.s32 v0, v57  }
0x8f: {  	v0 =	vshll.u32 v0, $0x9  }
0x90: {  	v0 =	vadd.s32 v1, v0  }
0x91: {  	[tilespmem:$0x28C0] =	vst v0  }
0x92: {  	v0 =	vld [tilespmem:s31+$0x14D0];
	_ =	sdelay $0x4  }
0x93: {  	v58 =	vmul.u32 $0xCCD, v0;
	_ =	sdelay $0x1  }
0x94: {  	v1 =	vshrl.u32 v58, $0x10  }
0x95: {  	v59 =	vmul.u32 $0x7FFFEC, v1;
	_ =	sdelay $0x1  }
0x96: {  	v0 =	vadd.s32 v0, v59  }
0x97: {  	v0 =	vshll.u32 v0, $0x9  }
0x98: {  	v0 =	vadd.s32 v1, v0  }
0x99: {  	[tilespmem:$0x28D0] =	vst v0  }
0x9a: {  	v0 =	vld [tilespmem:s31+$0x14E0];
	_ =	sdelay $0x4  }
0x9b: {  	v60 =	vmul.u32 $0xCCD, v0;
	_ =	sdelay $0x1  }
0x9c: {  	v1 =	vshrl.u32 v60, $0x10  }
0x9d: {  	v61 =	vmul.u32 $0x7FFFEC, v1;
	_ =	sdelay $0x1  }
0x9e: {  	v0 =	vadd.s32 v0, v61  }
0x9f: {  	v0 =	vshll.u32 v0, $0x9  }
0xa0: {  	v0 =	vadd.s32 v1, v0  }
0xa1: {  	[tilespmem:$0x28E0] =	vst v0  }
0xa2: {  	v0 =	vld [tilespmem:s31+$0x14F0];
	_ =	sdelay $0x4  }
0xa3: {  	v62 =	vmul.u32 $0xCCD, v0;
	_ =	sdelay $0x1  }
0xa4: {  	v1 =	vshrl.u32 v62, $0x10  }
0xa5: {  	v63 =	vmul.u32 $0x7FFFEC, v1;
	_ =	sdelay $0x1  }
0xa6: {  	v0 =	vadd.s32 v0, v63  }
0xa7: {  	v0 =	vshll.u32 v0, $0x9  }
0xa8: {  	v0 =	vadd.s32 v1, v0  }
0xa9: {  	[tilespmem:$0x28F0] =	vst v0  }
0xaa: {  	[spmem:s3] =	stream.indirect.scatter.add.f32 [tilespmem:s17], [sflag:$0x3], $0x80, s21, s15, $0xb8;
	[tilespmem:$0x1E900] =	vst v63  }
0xab: {  	s22 =	simm.s32 $0x100;
	s23 =	simm.s32 $0x400;
	_ =	swait.ge [sflag:s12], $0x4000  }
0xac: {  	p0 =	por p1, p1;
	s24 =	simm.s32 $0x800;
	[sflag:s12] =	ssyncset.done $0x0  }
.LBB2_3:
0xad: {  	s26 =	sadd.s32 $0x80, s22  }
0xae: {  	[sflag:s12] =	ssyncadd.s32 $0xFFFFC000;
	s25 =	smov.u32 s24;
	s24 =	sadd.s32 $0x400, s24  }
0xaf: {  	[tilespmem:s17], [sflag:$0x2] =	stream.indirect.gather [hbm4b:s0+s15], $0x80, s26, s15, $0xb8;
	[tilespmem:$0x1E900] =	vst v63  }
0xb0: {  	p1 =	sne.s32 s24, $0x5000;
	_ =	swait.ge [sflag:s18], $0x4000  }
0xb1: {  	[sflag:s18] =	ssyncset.done $0x0  }
0xb2: {  	[sflag:s18] =	ssyncadd.s32 $0xFFFFC000  }
0xb3: {  	v0 =	vld [tilespmem:s22+$0x1400];
	_ =	sdelay $0x4  }
0xb4: {  	v1 =	vmul.u32 $0xCCD, v0;
	_ =	sdelay $0x1  }
0xb5: {  	v1 =	vshrl.u32 v1, $0x10  }
0xb6: {  	v2 =	vmul.u32 $0x7FFFEC, v1;
	_ =	sdelay $0x1  }
0xb7: {  	v0 =	vadd.s32 v0, v2  }
0xb8: {  	v0 =	vshll.u32 v0, $0x9  }
0xb9: {  	v0 =	vadd.s32 v1, v0  }
0xba: {  	[tilespmem:$0x2800] =	vst v0  }
0xbb: {  	v0 =	vld [tilespmem:s22+$0x1410];
	_ =	sdelay $0x4  }
0xbc: {  	v1 =	vmul.u32 $0xCCD, v0;
	_ =	sdelay $0x1  }
0xbd: {  	v1 =	vshrl.u32 v1, $0x10  }
0xbe: {  	v2 =	vmul.u32 $0x7FFFEC, v1;
	_ =	sdelay $0x1  }
0xbf: {  	v0 =	vadd.s32 v0, v2  }
0xc0: {  	v0 =	vshll.u32 v0, $0x9  }
0xc1: {  	v0 =	vadd.s32 v1, v0  }
0xc2: {  	[tilespmem:$0x2810] =	vst v0  }
0xc3: {  	v0 =	vld [tilespmem:s22+$0x1420];
	_ =	sdelay $0x4  }
0xc4: {  	v1 =	vmul.u32 $0xCCD, v0;
	_ =	sdelay $0x1  }
0xc5: {  	v1 =	vshrl.u32 v1, $0x10  }
0xc6: {  	v2 =	vmul.u32 $0x7FFFEC, v1;
	_ =	sdelay $0x1  }
0xc7: {  	v0 =	vadd.s32 v0, v2  }
0xc8: {  	v0 =	vshll.u32 v0, $0x9  }
0xc9: {  	v0 =	vadd.s32 v1, v0  }
0xca: {  	[tilespmem:$0x2820] =	vst v0  }
0xcb: {  	v0 =	vld [tilespmem:s22+$0x1430];
	_ =	sdelay $0x4  }
0xcc: {  	v1 =	vmul.u32 $0xCCD, v0;
	_ =	sdelay $0x1  }
0xcd: {  	v1 =	vshrl.u32 v1, $0x10  }
0xce: {  	v2 =	vmul.u32 $0x7FFFEC, v1;
	_ =	sdelay $0x1  }
0xcf: {  	v0 =	vadd.s32 v0, v2  }
0xd0: {  	v0 =	vshll.u32 v0, $0x9  }
0xd1: {  	v0 =	vadd.s32 v1, v0  }
0xd2: {  	[tilespmem:$0x2830] =	vst v0  }
0xd3: {  	v0 =	vld [tilespmem:s22+$0x1440];
	_ =	sdelay $0x4  }
0xd4: {  	v1 =	vmul.u32 $0xCCD, v0;
	_ =	sdelay $0x1  }
0xd5: {  	v1 =	vshrl.u32 v1, $0x10  }
0xd6: {  	v2 =	vmul.u32 $0x7FFFEC, v1;
	_ =	sdelay $0x1  }
0xd7: {  	v0 =	vadd.s32 v0, v2  }
0xd8: {  	v0 =	vshll.u32 v0, $0x9  }
0xd9: {  	v0 =	vadd.s32 v1, v0  }
0xda: {  	[tilespmem:$0x2840] =	vst v0  }
0xdb: {  	v0 =	vld [tilespmem:s22+$0x1450];
	_ =	sdelay $0x4  }
0xdc: {  	v1 =	vmul.u32 $0xCCD, v0;
	_ =	sdelay $0x1  }
0xdd: {  	v1 =	vshrl.u32 v1, $0x10  }
0xde: {  	v2 =	vmul.u32 $0x7FFFEC, v1;
	_ =	sdelay $0x1  }
0xdf: {  	v0 =	vadd.s32 v0, v2  }
0xe0: {  	v0 =	vshll.u32 v0, $0x9  }
0xe1: {  	v0 =	vadd.s32 v1, v0  }
0xe2: {  	[tilespmem:$0x2850] =	vst v0  }
0xe3: {  	v0 =	vld [tilespmem:s22+$0x1460];
	_ =	sdelay $0x4  }
0xe4: {  	v1 =	vmul.u32 $0xCCD, v0;
	_ =	sdelay $0x1  }
0xe5: {  	v1 =	vshrl.u32 v1, $0x10  }
0xe6: {  	v2 =	vmul.u32 $0x7FFFEC, v1;
	_ =	sdelay $0x1  }
0xe7: {  	v0 =	vadd.s32 v0, v2  }
0xe8: {  	v0 =	vshll.u32 v0, $0x9  }
0xe9: {  	v0 =	vadd.s32 v1, v0  }
0xea: {  	[tilespmem:$0x2860] =	vst v0  }
0xeb: {  	v0 =	vld [tilespmem:s22+$0x1470];
	_ =	sdelay $0x4  }
0xec: {  	v1 =	vmul.u32 $0xCCD, v0;
	_ =	sdelay $0x1  }
0xed: {  	v1 =	vshrl.u32 v1, $0x10  }
0xee: {  	v2 =	vmul.u32 $0x7FFFEC, v1;
	_ =	sdelay $0x1  }
0xef: {  	v0 =	vadd.s32 v0, v2  }
0xf0: {  	v0 =	vshll.u32 v0, $0x9  }
0xf1: {  	v0 =	vadd.s32 v1, v0  }
0xf2: {  	[tilespmem:$0x2870] =	vst v0  }
0xf3: {  	[spmem:s3] =	stream.indirect.scatter.add.f32 [tilespmem:s16], [sflag:$0x3], $0x80, s19, s15, $0xb8;
	[tilespmem:$0x1E900] =	vst v63  }
0xf4: {  	p2 =	seq.s32 s23, $0x4C00;
	_ =	swait.ge [sflag:s12], $0x4000  }
0xf5: {  	s23 =	sshra.s32 @!p2 s23, $0x2;
	s26 =	simm.s32 @!p2 $0x2900;
	[sflag:s12] =	ssyncset.done $0x0  }
0xf6: {  	s28 =	simm.s32 @!p2 $0x80;
	s23 =	sadd.s32 @!p2 $0x100, s23;
	[sflag:s12] =	ssyncadd.s32 $0xFFFFC000  }
0xf7: {  	[tilespmem:s26], [sflag:$0x1] =	stream.indirect.gather @!p2 [hbm4b:s0+s28], $0x80, s23, s28, $0xb8;
	[tilespmem:$0x1E900] =	vst v63  }
0xf8: {  	s23 =	smov.u32 s25;
	_ =	swait.ge [sflag:s20], $0x4000  }
0xf9: {  	[sflag:s20] =	ssyncset.done $0x0  }
0xfa: {  	[sflag:s20] =	ssyncadd.s32 $0xFFFFC000  }
0xfb: {  	v0 =	vld [tilespmem:s22+$0x1480];
	_ =	sdelay $0x4  }
0xfc: {  	v1 =	vmul.u32 $0xCCD, v0;
	_ =	sdelay $0x1  }
0xfd: {  	v1 =	vshrl.u32 v1, $0x10  }
0xfe: {  	v2 =	vmul.u32 $0x7FFFEC, v1;
	_ =	sdelay $0x1  }
0xff: {  	v0 =	vadd.s32 v0, v2  }
0x100: {  	v0 =	vshll.u32 v0, $0x9  }
0x101: {  	v0 =	vadd.s32 v1, v0  }
0x102: {  	[tilespmem:$0x2880] =	vst v0  }
0x103: {  	v0 =	vld [tilespmem:s22+$0x1490];
	_ =	sdelay $0x4  }
0x104: {  	v1 =	vmul.u32 $0xCCD, v0;
	_ =	sdelay $0x1  }
0x105: {  	v1 =	vshrl.u32 v1, $0x10  }
0x106: {  	v2 =	vmul.u32 $0x7FFFEC, v1;
	_ =	sdelay $0x1  }
0x107: {  	v0 =	vadd.s32 v0, v2  }
0x108: {  	v0 =	vshll.u32 v0, $0x9  }
0x109: {  	v0 =	vadd.s32 v1, v0  }
0x10a: {  	[tilespmem:$0x2890] =	vst v0  }
0x10b: {  	v0 =	vld [tilespmem:s22+$0x14A0];
	_ =	sdelay $0x4  }
0x10c: {  	v1 =	vmul.u32 $0xCCD, v0;
	_ =	sdelay $0x1  }
0x10d: {  	v1 =	vshrl.u32 v1, $0x10  }
0x10e: {  	v2 =	vmul.u32 $0x7FFFEC, v1;
	_ =	sdelay $0x1  }
0x10f: {  	v0 =	vadd.s32 v0, v2  }
0x110: {  	v0 =	vshll.u32 v0, $0x9  }
0x111: {  	v0 =	vadd.s32 v1, v0  }
0x112: {  	[tilespmem:$0x28A0] =	vst v0  }
0x113: {  	v0 =	vld [tilespmem:s22+$0x14B0];
	_ =	sdelay $0x4  }
0x114: {  	v1 =	vmul.u32 $0xCCD, v0;
	_ =	sdelay $0x1  }
0x115: {  	v1 =	vshrl.u32 v1, $0x10  }
0x116: {  	v2 =	vmul.u32 $0x7FFFEC, v1;
	_ =	sdelay $0x1  }
0x117: {  	v0 =	vadd.s32 v0, v2  }
0x118: {  	v0 =	vshll.u32 v0, $0x9  }
0x119: {  	v0 =	vadd.s32 v1, v0  }
0x11a: {  	[tilespmem:$0x28B0] =	vst v0  }
0x11b: {  	v0 =	vld [tilespmem:s22+$0x14C0];
	_ =	sdelay $0x4  }
0x11c: {  	v1 =	vmul.u32 $0xCCD, v0;
	_ =	sdelay $0x1  }
0x11d: {  	v1 =	vshrl.u32 v1, $0x10  }
0x11e: {  	v2 =	vmul.u32 $0x7FFFEC, v1;
	_ =	sdelay $0x1  }
0x11f: {  	v0 =	vadd.s32 v0, v2  }
0x120: {  	v0 =	vshll.u32 v0, $0x9  }
0x121: {  	v0 =	vadd.s32 v1, v0  }
0x122: {  	[tilespmem:$0x28C0] =	vst v0  }
0x123: {  	v0 =	vld [tilespmem:s22+$0x14D0];
	_ =	sdelay $0x4  }
0x124: {  	v1 =	vmul.u32 $0xCCD, v0;
	_ =	sdelay $0x1  }
0x125: {  	v1 =	vshrl.u32 v1, $0x10  }
0x126: {  	v2 =	vmul.u32 $0x7FFFEC, v1;
	_ =	sdelay $0x1  }
0x127: {  	v0 =	vadd.s32 v0, v2  }
0x128: {  	v0 =	vshll.u32 v0, $0x9  }
0x129: {  	v0 =	vadd.s32 v1, v0  }
0x12a: {  	[tilespmem:$0x28D0] =	vst v0  }
0x12b: {  	v0 =	vld [tilespmem:s22+$0x14E0];
	_ =	sdelay $0x4  }
0x12c: {  	v1 =	vmul.u32 $0xCCD, v0;
	_ =	sdelay $0x1  }
0x12d: {  	v1 =	vshrl.u32 v1, $0x10  }
0x12e: {  	v2 =	vmul.u32 $0x7FFFEC, v1;
	_ =	sdelay $0x1  }
0x12f: {  	v0 =	vadd.s32 v0, v2  }
0x130: {  	v0 =	vshll.u32 v0, $0x9  }
0x131: {  	v0 =	vadd.s32 v1, v0  }
0x132: {  	[tilespmem:$0x28E0] =	vst v0  }
0x133: {  	v0 =	vld [tilespmem:s22+$0x14F0];
	_ =	sdelay $0x4  }
0x134: {  	v1 =	vmul.u32 $0xCCD, v0;
	_ =	sdelay $0x1  }
0x135: {  	v1 =	vshrl.u32 v1, $0x10  }
0x136: {  	v2 =	vmul.u32 $0x7FFFEC, v1;
	_ =	sdelay $0x1  }
0x137: {  	v0 =	vadd.s32 v0, v2  }
0x138: {  	v0 =	vshll.u32 v0, $0x9  }
.Ltmp0:
0x139: {  	v0 =	vadd.s32 v1, v0;
	(pc) =	sbr.rel @p1 .LBB2_3-.Ltmp0, $4  }
0x13a: {  	[tilespmem:$0x28F0] =	vst v0  }
0x13b: {  	[spmem:s3] =	stream.indirect.scatter.add.f32 [tilespmem:s17], [sflag:$0x3], $0x80, s21, s15, $0xb8;
	[tilespmem:$0x1E900] =	vst v63  }
0x13c: {  	_ =	swait.ge [sflag:s12], $0x4000  }
0x13d: {  	s22 =	sshra.s32 s23, $0x2;
	[sflag:s12] =	ssyncset.done $0x0  }
0x13e: {  	s24 =	sadd.s32 $0x80, s22;
	[sflag:s12] =	ssyncadd.s32 $0xFFFFC000  }
0x13f: {  	[tilespmem:s17], [sflag:$0x2] =	stream.indirect.gather [hbm4b:s0+s15], $0x80, s24, s15, $0xb8;
	[tilespmem:$0x1E900] =	vst v63  }
0x140: {  	_ =	swait.ge [sflag:s18], $0x4000  }
0x141: {  	[sflag:s18] =	ssyncset.done $0x0  }
0x142: {  	[sflag:s18] =	ssyncadd.s32 $0xFFFFC000  }
0x143: {  	v0 =	vld [tilespmem:s22+$0x1400];
	_ =	sdelay $0x4  }
0x144: {  	v1 =	vmul.u32 $0xCCD, v0;
	_ =	sdelay $0x1  }
0x145: {  	v1 =	vshrl.u32 v1, $0x10  }
0x146: {  	v2 =	vmul.u32 $0x7FFFEC, v1;
	_ =	sdelay $0x1  }
0x147: {  	v0 =	vadd.s32 v0, v2  }
0x148: {  	v0 =	vshll.u32 v0, $0x9  }
0x149: {  	v0 =	vadd.s32 v1, v0  }
0x14a: {  	[tilespmem:$0x2800] =	vst v0  }
0x14b: {  	v0 =	vld [tilespmem:s22+$0x1410];
	_ =	sdelay $0x4  }
0x14c: {  	v33 =	vmul.u32 $0xCCD, v0;
	_ =	sdelay $0x1  }
0x14d: {  	v1 =	vshrl.u32 v33, $0x10  }
0x14e: {  	v34 =	vmul.u32 $0x7FFFEC, v1;
	_ =	sdelay $0x1  }
0x14f: {  	v0 =	vadd.s32 v0, v34  }
0x150: {  	v0 =	vshll.u32 v0, $0x9  }
0x151: {  	v0 =	vadd.s32 v1, v0  }
0x152: {  	[tilespmem:$0x2810] =	vst v0  }
0x153: {  	v0 =	vld [tilespmem:s22+$0x1420];
	_ =	sdelay $0x4  }
0x154: {  	v35 =	vmul.u32 $0xCCD, v0;
	_ =	sdelay $0x1  }
0x155: {  	v1 =	vshrl.u32 v35, $0x10  }
0x156: {  	v36 =	vmul.u32 $0x7FFFEC, v1;
	_ =	sdelay $0x1  }
0x157: {  	v0 =	vadd.s32 v0, v36  }
0x158: {  	v0 =	vshll.u32 v0, $0x9  }
0x159: {  	v0 =	vadd.s32 v1, v0  }
0x15a: {  	[tilespmem:$0x2820] =	vst v0  }
0x15b: {  	v0 =	vld [tilespmem:s22+$0x1430];
	_ =	sdelay $0x4  }
0x15c: {  	v37 =	vmul.u32 $0xCCD, v0;
	_ =	sdelay $0x1  }
0x15d: {  	v1 =	vshrl.u32 v37, $0x10  }
0x15e: {  	v38 =	vmul.u32 $0x7FFFEC, v1;
	_ =	sdelay $0x1  }
0x15f: {  	v0 =	vadd.s32 v0, v38  }
0x160: {  	v0 =	vshll.u32 v0, $0x9  }
0x161: {  	v0 =	vadd.s32 v1, v0  }
0x162: {  	[tilespmem:$0x2830] =	vst v0  }
0x163: {  	v0 =	vld [tilespmem:s22+$0x1440];
	_ =	sdelay $0x4  }
0x164: {  	v39 =	vmul.u32 $0xCCD, v0;
	_ =	sdelay $0x1  }
0x165: {  	v1 =	vshrl.u32 v39, $0x10  }
0x166: {  	v40 =	vmul.u32 $0x7FFFEC, v1;
	_ =	sdelay $0x1  }
0x167: {  	v0 =	vadd.s32 v0, v40  }
0x168: {  	v0 =	vshll.u32 v0, $0x9  }
0x169: {  	v0 =	vadd.s32 v1, v0  }
0x16a: {  	[tilespmem:$0x2840] =	vst v0  }
0x16b: {  	v0 =	vld [tilespmem:s22+$0x1450];
	_ =	sdelay $0x4  }
0x16c: {  	v41 =	vmul.u32 $0xCCD, v0;
	_ =	sdelay $0x1  }
0x16d: {  	v1 =	vshrl.u32 v41, $0x10  }
0x16e: {  	v42 =	vmul.u32 $0x7FFFEC, v1;
	_ =	sdelay $0x1  }
0x16f: {  	v0 =	vadd.s32 v0, v42  }
0x170: {  	v0 =	vshll.u32 v0, $0x9  }
0x171: {  	v0 =	vadd.s32 v1, v0  }
0x172: {  	[tilespmem:$0x2850] =	vst v0  }
0x173: {  	v0 =	vld [tilespmem:s22+$0x1460];
	_ =	sdelay $0x4  }
0x174: {  	v43 =	vmul.u32 $0xCCD, v0;
	_ =	sdelay $0x1  }
0x175: {  	v1 =	vshrl.u32 v43, $0x10  }
0x176: {  	v44 =	vmul.u32 $0x7FFFEC, v1;
	_ =	sdelay $0x1  }
0x177: {  	v0 =	vadd.s32 v0, v44  }
0x178: {  	v0 =	vshll.u32 v0, $0x9  }
0x179: {  	v0 =	vadd.s32 v1, v0  }
0x17a: {  	[tilespmem:$0x2860] =	vst v0  }
0x17b: {  	v0 =	vld [tilespmem:s22+$0x1470];
	_ =	sdelay $0x4  }
0x17c: {  	v45 =	vmul.u32 $0xCCD, v0;
	_ =	sdelay $0x1  }
0x17d: {  	v1 =	vshrl.u32 v45, $0x10  }
0x17e: {  	v46 =	vmul.u32 $0x7FFFEC, v1;
	_ =	sdelay $0x1  }
0x17f: {  	v0 =	vadd.s32 v0, v46  }
0x180: {  	v0 =	vshll.u32 v0, $0x9  }
0x181: {  	v0 =	vadd.s32 v1, v0  }
0x182: {  	[tilespmem:$0x2870] =	vst v0  }
0x183: {  	[spmem:s3] =	stream.indirect.scatter.add.f32 [tilespmem:s16], [sflag:$0x3], $0x80, s19, s15, $0xb8;
	[tilespmem:$0x1E900] =	vst v63  }
0x184: {  	p1 =	seq.s32 s23, $0x4C00;
	_ =	swait.ge [sflag:s12], $0x4000  }
0x185: {  	s23 =	sshra.s32 @!p1 s23, $0x2;
	s24 =	simm.s32 @!p1 $0x2900;
	[sflag:s12] =	ssyncset.done $0x0  }
0x186: {  	s25 =	simm.s32 @!p1 $0x80;
	s23 =	sadd.s32 @!p1 $0x100, s23;
	[sflag:s12] =	ssyncadd.s32 $0xFFFFC000  }
0x187: {  	[tilespmem:s24], [sflag:$0x1] =	stream.indirect.gather @!p1 [hbm4b:s0+s25], $0x80, s23, s25, $0xb8;
	[tilespmem:$0x1E900] =	vst v63  }
0x188: {  	_ =	swait.ge [sflag:s20], $0x4000  }
0x189: {  	[sflag:s20] =	ssyncset.done $0x0  }
0x18a: {  	[sflag:s20] =	ssyncadd.s32 $0xFFFFC000  }
0x18b: {  	v47 =	vld [tilespmem:s22+$0x1480];
	_ =	sdelay $0x4  }
0x18c: {  	v48 =	vmul.u32 $0xCCD, v47;
	_ =	sdelay $0x1  }
0x18d: {  	v1 =	vshrl.u32 v48, $0x10  }
0x18e: {  	v49 =	vmul.u32 $0x7FFFEC, v1;
	_ =	sdelay $0x1  }
0x18f: {  	v0 =	vadd.s32 v47, v49  }
0x190: {  	v0 =	vshll.u32 v0, $0x9  }
0x191: {  	v0 =	vadd.s32 v1, v0  }
0x192: {  	[tilespmem:$0x2880] =	vst v0  }
0x193: {  	v0 =	vld [tilespmem:s22+$0x1490];
	_ =	sdelay $0x4  }
0x194: {  	v50 =	vmul.u32 $0xCCD, v0;
	_ =	sdelay $0x1  }
0x195: {  	v1 =	vshrl.u32 v50, $0x10  }
0x196: {  	v51 =	vmul.u32 $0x7FFFEC, v1;
	_ =	sdelay $0x1  }
0x197: {  	v0 =	vadd.s32 v0, v51  }
0x198: {  	v0 =	vshll.u32 v0, $0x9  }
0x199: {  	v0 =	vadd.s32 v1, v0  }
0x19a: {  	[tilespmem:$0x2890] =	vst v0  }
0x19b: {  	v0 =	vld [tilespmem:s22+$0x14A0];
	_ =	sdelay $0x4  }
0x19c: {  	v52 =	vmul.u32 $0xCCD, v0;
	_ =	sdelay $0x1  }
0x19d: {  	v1 =	vshrl.u32 v52, $0x10  }
0x19e: {  	v53 =	vmul.u32 $0x7FFFEC, v1;
	_ =	sdelay $0x1  }
0x19f: {  	v0 =	vadd.s32 v0, v53  }
0x1a0: {  	v0 =	vshll.u32 v0, $0x9  }
0x1a1: {  	v0 =	vadd.s32 v1, v0  }
0x1a2: {  	[tilespmem:$0x28A0] =	vst v0  }
0x1a3: {  	v0 =	vld [tilespmem:s22+$0x14B0];
	_ =	sdelay $0x4  }
0x1a4: {  	v54 =	vmul.u32 $0xCCD, v0;
	_ =	sdelay $0x1  }
0x1a5: {  	v1 =	vshrl.u32 v54, $0x10  }
0x1a6: {  	v55 =	vmul.u32 $0x7FFFEC, v1;
	_ =	sdelay $0x1  }
0x1a7: {  	v0 =	vadd.s32 v0, v55  }
0x1a8: {  	v0 =	vshll.u32 v0, $0x9  }
0x1a9: {  	v0 =	vadd.s32 v1, v0  }
0x1aa: {  	[tilespmem:$0x28B0] =	vst v0  }
0x1ab: {  	v0 =	vld [tilespmem:s22+$0x14C0];
	_ =	sdelay $0x4  }
0x1ac: {  	v56 =	vmul.u32 $0xCCD, v0;
	_ =	sdelay $0x1  }
0x1ad: {  	v1 =	vshrl.u32 v56, $0x10  }
0x1ae: {  	v57 =	vmul.u32 $0x7FFFEC, v1;
	_ =	sdelay $0x1  }
0x1af: {  	v0 =	vadd.s32 v0, v57  }
0x1b0: {  	v0 =	vshll.u32 v0, $0x9  }
0x1b1: {  	v0 =	vadd.s32 v1, v0  }
0x1b2: {  	[tilespmem:$0x28C0] =	vst v0  }
0x1b3: {  	v0 =	vld [tilespmem:s22+$0x14D0];
	_ =	sdelay $0x4  }
0x1b4: {  	v58 =	vmul.u32 $0xCCD, v0;
	_ =	sdelay $0x1  }
0x1b5: {  	v1 =	vshrl.u32 v58, $0x10  }
0x1b6: {  	v59 =	vmul.u32 $0x7FFFEC, v1;
	_ =	sdelay $0x1  }
0x1b7: {  	v0 =	vadd.s32 v0, v59  }
0x1b8: {  	v0 =	vshll.u32 v0, $0x9  }
0x1b9: {  	v0 =	vadd.s32 v1, v0  }
0x1ba: {  	[tilespmem:$0x28D0] =	vst v0  }
0x1bb: {  	v0 =	vld [tilespmem:s22+$0x14E0];
	_ =	sdelay $0x4  }
0x1bc: {  	v60 =	vmul.u32 $0xCCD, v0;
	_ =	sdelay $0x1  }
0x1bd: {  	v1 =	vshrl.u32 v60, $0x10  }
0x1be: {  	v61 =	vmul.u32 $0x7FFFEC, v1;
	_ =	sdelay $0x1  }
0x1bf: {  	v0 =	vadd.s32 v0, v61  }
0x1c0: {  	v0 =	vshll.u32 v0, $0x9  }
0x1c1: {  	v0 =	vadd.s32 v1, v0  }
0x1c2: {  	[tilespmem:$0x28E0] =	vst v0  }
0x1c3: {  	v0 =	vld [tilespmem:s22+$0x14F0];
	_ =	sdelay $0x4  }
0x1c4: {  	v62 =	vmul.u32 $0xCCD, v0;
	_ =	sdelay $0x1  }
0x1c5: {  	v1 =	vshrl.u32 v62, $0x10  }
0x1c6: {  	v63 =	vmul.u32 $0x7FFFEC, v1;
	_ =	sdelay $0x1  }
0x1c7: {  	v0 =	vadd.s32 v0, v63  }
0x1c8: {  	v0 =	vshll.u32 v0, $0x9  }
0x1c9: {  	v0 =	vadd.s32 v1, v0  }
.Ltmp1:
0x1ca: {  	[tilespmem:$0x28F0] =	vst v0;
	(pc) =	sbr.rel @p0 .LBB2_2-.Ltmp1, $4  }
0x1cb: {  	[spmem:s3] =	stream.indirect.scatter.add.f32 [tilespmem:s17], [sflag:$0x3], $0x80, s21, s15, $0xb8;
	[tilespmem:$0x1E900] =	vst v63  }
0x1cc: {  	_ =	swait.ge [sflag:s12], $0x4000  }
0x1cd: {  	[sflag:s12] =	ssyncset.done $0x0  }
0x1ce: {  	p1 =	por $0x0, $0x0;
	s22 =	simm.s32 $0x28;
	[sflag:s12] =	ssyncadd.s32 $0xFFFFC000  }
0x1cf: {  	s4 =	sadd.s32 $0x1, s4  }
0x1d0: {  	p0 =	sne.s32 s4, s10  }
.Ltmp2:
0x1d1: {  	[bflag:$0x0] =	sbarrier.arrive $0xFFFF;
	(pc) =	sbr.rel @p0 .LBB2_1-.Ltmp2, $4  }
0x1d2: {  	[hbm:s9], [sflag:s7] =	dma.local [spmem:s11], $0x2800  }
0x1d3: {  	_ =	swait.ge [sflag:s12], $0x2800  }
0x1d4: {  	[sflag:s12] =	ssyncset.done $0x0  }
0x1d5: {  	[sflag:s12] =	ssyncadd.s32 $0xFFFFD800  }
0x1d6: {  	_ =	sfence.sel $0x180000  }
0x1d7: {  	[bflag:$0x0] =	sbarrier.arrive $0xFFFF  }
0x1d8: {  	p0 =	sne.s32 s2, $0x0;
	_ =	strace $0x90000047  }
0x1d9: {  	s0 =	sadd.s32 @!p0 $0x100000, s1;
	[bflag:$0x2] =	sbarrier.arrive $0xFFFF  }
0x1da: {  	[sflag:s0] =	ssyncadd.tile.s32 @!p0 $0x1;
	_ =	shalt  }
.Lfunc_end2:
_tile_overlayer_lowered:
.L_overlay_start_2:
0x1db: {  	(tag) =	ssettag $0x2  }
0x1dc: {  	s0 =	rddreg [dreg:$0x0];
	s2 =	stileid.u32  }
0x1dd: {  	s1 =	rddreg [dreg:$0x1];
	p0 =	sne.s32 s2, $0x0  }
0x1de: {  	s3 =	rddreg [dreg:$0x2];
	[bflag:$0x3] =	sbarrier.arrive $0xFFFF;
	s2 =	simm.s32 @!p0 $0x1C03  }
0x1df: {  	[timem:s3], [sflag:s2] =	dma.local @!p0 [hbm:s0], s1  }
0x1e0: {  	s0 =	simm.s32 @!p0 $0x3  }
0x1e1: {  	_ =	swait.ge @!p0 [sflag:s0], s1  }
0x1e2: {  	s1 =	ssub.s32 @!p0 $0x0, s1;
	[sflag:s0] =	ssyncset.done @!p0 $0x0  }
0x1e3: {  	[sflag:s0] =	ssyncadd.s32 @!p0 s1  }
0x1e4: {  	[bflag:$0x3] =	sbarrier.arrive $0xFFFF  }
0x1e5: {  	_ =	shalt  }

</sc_bundles>
